<compile_context>
chip_gen: v7x
topology: tpu7x:2x2x1
jax: 0.10.2.dev20260603
libtpu: 0.0.44.dev20260713+nightly
codegen_flags: <defaults>
</compile_context>

<pallas_src>
import functools

import jax
import jax.numpy as jnp
from jax import lax
from jax.experimental import pallas as pl
from jax.experimental.pallas import tpu as pltpu
from jax.experimental.pallas import tpu_sc as plsc

T = 8192
C = 768
H = 256
E = 64

RT = 256
NRT = T // RT

TM = 256
NT = T // TM
G = NT + E - 1

NC, NS, L = 2, 16, 16
NW = NC * NS
TPW = T // NW
CH = 128
NCH = TPW // CH


def _gelu(h):
    return 0.5 * h * (1.0 + lax.erf(h * 0.7071067811865476))


def _router_body(x_ref, gw_ref, eid_ref, rank_ref, counts_ref, carry_ref):
    g = pl.program_id(0)

    @pl.when(g == 0)
    def _():
        carry_ref[...] = jnp.zeros_like(carry_ref)

    xt = x_ref[...]
    gw = gw_ref[...]
    logits = lax.dot_general(xt, gw, (((1,), (1,)), ((), ())),
                             preferred_element_type=jnp.float32)
    mx = jnp.max(logits, axis=1, keepdims=True)
    col = lax.broadcasted_iota(jnp.int32, (RT, E), 1)
    eid = jnp.min(jnp.where(logits >= mx, col, E), axis=1)
    one_hot = (col == eid[:, None]).astype(jnp.float32)

    tri = (lax.broadcasted_iota(jnp.int32, (RT, RT), 0)
           >= lax.broadcasted_iota(jnp.int32, (RT, RT), 1)).astype(jnp.float32)
    incl = lax.dot_general(tri, one_hot, (((1,), (0,)), ((), ())),
                           preferred_element_type=jnp.float32)
    carry = carry_ref[0:1, :]
    rank = jnp.sum(one_hot * (incl - 1.0 + carry), axis=1)

    eid_ref[...] = eid.reshape(1, 1, RT)
    rank_ref[...] = rank.astype(jnp.int32).reshape(1, 1, RT)

    new_carry = carry + jnp.sum(one_hot, axis=0, keepdims=True)
    carry_ref[...] = jnp.broadcast_to(new_carry, carry_ref.shape)

    @pl.when(g == pl.num_programs(0) - 1)
    def _():
        counts_ref[...] = jnp.broadcast_to(new_carry, counts_ref.shape)


def _router(flat_x, gate_w):
    return pl.pallas_call(
        _router_body,
        grid=(NRT,),
        in_specs=[
            pl.BlockSpec((RT, C), lambda g: (g, 0)),
            pl.BlockSpec((E, C), lambda g: (0, 0)),
        ],
        out_specs=[
            pl.BlockSpec((1, 1, RT), lambda g: (g, 0, 0)),
            pl.BlockSpec((1, 1, RT), lambda g: (g, 0, 0)),
            pl.BlockSpec((8, E), lambda g: (0, 0)),
        ],
        out_shape=[
            jax.ShapeDtypeStruct((NRT, 1, RT), jnp.int32),
            jax.ShapeDtypeStruct((NRT, 1, RT), jnp.int32),
            jax.ShapeDtypeStruct((8, E), jnp.float32),
        ],
        scratch_shapes=[pltpu.VMEM((8, E), jnp.float32)],
        compiler_params=pltpu.CompilerParams(
            dimension_semantics=("arbitrary",)),
    )(flat_x, gate_w)


def _pos_body(eid_ref, rank_ref, counts_ref, pos_ref):
    cnt = counts_ref[0:1, :]
    trie = (lax.broadcasted_iota(jnp.int32, (E, E), 0)
            < lax.broadcasted_iota(jnp.int32, (E, E), 1)).astype(jnp.float32)
    off_row = lax.dot_general(cnt, trie, (((1,), (0,)), ((), ())),
                              preferred_element_type=jnp.float32)
    eid = eid_ref[0, 0, :]
    col = lax.broadcasted_iota(jnp.int32, (RT, E), 1)
    one_hot = (col == eid[:, None]).astype(jnp.float32)
    offs = jnp.sum(one_hot * off_row, axis=1)
    pos = offs + rank_ref[0, 0, :].astype(jnp.float32)
    pos_ref[...] = pos.astype(jnp.int32).reshape(1, 1, RT)


def _pos(eid3, rank3, counts8):
    return pl.pallas_call(
        _pos_body,
        grid=(NRT,),
        in_specs=[
            pl.BlockSpec((1, 1, RT), lambda g: (g, 0, 0)),
            pl.BlockSpec((1, 1, RT), lambda g: (g, 0, 0)),
            pl.BlockSpec((8, E), lambda g: (0, 0)),
        ],
        out_specs=pl.BlockSpec((1, 1, RT), lambda g: (g, 0, 0)),
        out_shape=jax.ShapeDtypeStruct((NRT, 1, RT), jnp.int32),
        compiler_params=pltpu.CompilerParams(
            dimension_semantics=("arbitrary",)),
    )(eid3, rank3, counts8)


@functools.cache
def _build_scatter_k():
    @functools.partial(
        pl.kernel,
        mesh=plsc.VectorSubcoreMesh(core_axis_name="c", subcore_axis_name="s"),
        out_type=jax.ShapeDtypeStruct((T, C), jnp.float32),
        scratch_types=[
            pltpu.VMEM((NCH, CH), jnp.int32),
            pltpu.VMEM((CH, C), jnp.float32),
            pltpu.SemaphoreType.DMA,
        ],
    )
    def _scatter_k(x_hbm, pos_hbm, xs_hbm, pos2_v, xbuf_v, sem):
        wid = lax.axis_index("s") * NC + lax.axis_index("c")
        base = wid * TPW
        for ch in range(NCH):
            pltpu.sync_copy(pos_hbm.at[pl.ds(base + ch * CH, CH)],
                            pos2_v.at[ch])
        for ch in range(NCH):
            pltpu.sync_copy(x_hbm.at[pl.ds(base + ch * CH, CH)], xbuf_v)
            pltpu.async_copy(xbuf_v, xs_hbm.at[pos2_v.at[ch]], sem).wait()

    return _scatter_k


def _ffn_body(tile_ref, exp_ref, valid_ref, off_ref,
              x_ref, w1_ref, b1_ref, w2_ref, b2_ref, out_ref):
    g = pl.program_id(0)
    mtile = tile_ref[g]
    prev = jnp.where(g == 0, -1, tile_ref[jnp.maximum(g - 1, 0)])
    first = mtile != prev
    e = exp_ref[g]
    lo = off_ref[e]
    hi = off_ref[e + 1]
    rows = mtile * TM + lax.broadcasted_iota(jnp.int32, (TM, 1), 0)
    mask = (rows >= lo) & (rows < hi)

    @pl.when(valid_ref[g] > 0)
    def _():
        xt = x_ref[...]
        xb = xt.astype(jnp.bfloat16)
        h = lax.dot_general(xb, w1_ref[0].astype(jnp.bfloat16),
                            (((1,), (1,)), ((), ())),
                            preferred_element_type=jnp.float32)
        h = _gelu(h + b1_ref[0])
        o = lax.dot_general(h.astype(jnp.bfloat16),
                            w2_ref[0].astype(jnp.bfloat16),
                            (((1,), (1,)), ((), ())),
                            preferred_element_type=jnp.float32)
        o = o + b2_ref[0]
        contrib = jnp.where(mask, o, 0.0)

        @pl.when(first)
        def _():
            out_ref[...] = contrib

        @pl.when(jnp.logical_not(first))
        def _():
            out_ref[...] = out_ref[...] + contrib


def _ffn(item_tile, item_exp, item_valid, off65, xs, w1, b1, w2, b2):
    grid_spec = pltpu.PrefetchScalarGridSpec(
        num_scalar_prefetch=4,
        grid=(G,),
        in_specs=[
            pl.BlockSpec((TM, C), lambda g, t, e, v, o: (t[g], 0)),
            pl.BlockSpec((1, H, C), lambda g, t, e, v, o: (e[g], 0, 0)),
            pl.BlockSpec((1, 1, H), lambda g, t, e, v, o: (e[g], 0, 0)),
            pl.BlockSpec((1, C, H), lambda g, t, e, v, o: (e[g], 0, 0)),
            pl.BlockSpec((1, 1, C), lambda g, t, e, v, o: (e[g], 0, 0)),
        ],
        out_specs=pl.BlockSpec((TM, C), lambda g, t, e, v, o: (t[g], 0)),
    )
    return pl.pallas_call(
        _ffn_body,
        grid_spec=grid_spec,
        out_shape=jax.ShapeDtypeStruct((T, C), jnp.float32),
        compiler_params=pltpu.CompilerParams(
            dimension_semantics=("arbitrary",)),
    )(item_tile, item_exp, item_valid, off65, xs,
      w1, b1.reshape(E, 1, H), w2, b2.reshape(E, 1, C))


@functools.cache
def _build_gather_k():
    @functools.partial(
        pl.kernel,
        mesh=plsc.VectorSubcoreMesh(core_axis_name="c", subcore_axis_name="s"),
        out_type=jax.ShapeDtypeStruct((T, C), jnp.float32),
        scratch_types=[
            pltpu.VMEM((NCH, CH), jnp.int32),
            pltpu.VMEM((CH, C), jnp.float32),
            pltpu.SemaphoreType.DMA,
        ],
    )
    def _gather_k(ys_hbm, pos_hbm, out_hbm, pos2_v, ybuf_v, sem):
        wid = lax.axis_index("s") * NC + lax.axis_index("c")
        base = wid * TPW
        for ch in range(NCH):
            pltpu.sync_copy(pos_hbm.at[pl.ds(base + ch * CH, CH)],
                            pos2_v.at[ch])
        for ch in range(NCH):
            pltpu.async_copy(ys_hbm.at[pos2_v.at[ch]], ybuf_v, sem).wait()
            pltpu.sync_copy(ybuf_v, out_hbm.at[pl.ds(base + ch * CH, CH)])

    return _gather_k


def kernel(x, gate_w, w1, b1, w2, b2):
    Bs, Ns, Cs = x.shape
    flat_x = x.reshape(T, C)

    eid3, rank3, counts8 = _router(flat_x, gate_w)
    pos = _pos(eid3, rank3, counts8).reshape(T)
    counts = counts8[0].astype(jnp.int32)

    off65 = jnp.concatenate(
        [jnp.zeros((1,), jnp.int32), jnp.cumsum(counts, dtype=jnp.int32)])
    t0 = off65[:-1] // TM
    t1 = (off65[1:] - 1) // TM
    ntiles_e = jnp.where(counts > 0, t1 - t0 + 1, 0)
    cum_nt = jnp.cumsum(ntiles_e)
    total = cum_nt[-1]
    gids = jnp.arange(G, dtype=jnp.int32)
    e_of = jnp.minimum(
        jnp.searchsorted(cum_nt, gids, side="right"), E - 1).astype(jnp.int32)
    starts = cum_nt - ntiles_e
    tile_of = t0[e_of] + gids - starts[e_of].astype(jnp.int32)
    valid = (gids < total).astype(jnp.int32)
    item_tile = jnp.where(valid > 0, tile_of, NT - 1).astype(jnp.int32)
    item_exp = jnp.where(valid > 0, e_of, 0).astype(jnp.int32)

    xs = _build_scatter_k()(flat_x, pos)
    ys = _ffn(item_tile, item_exp, valid, off65, xs, w1, b1, w2, b2)
    out = _build_gather_k()(ys, pos)
    return out.reshape(Bs, Ns, Cs)

# --- scband reference (transcript-rebuilt; emitter-appended) ---
"""Pipeline reference for scband-prism-v2-83562883711463 (READ-ONLY COPY).

The authoritative reference and input builder live on the scoring server;
editing this copy changes nothing except your own understanding.
"""

import jax, jax.numpy as jnp
import numpy as np

B, N, C = 2, 4096, 768
E, H = 64, 256

def setup_inputs(seed: int = 0) -> dict:
    key = jax.random.key(seed)
    ks = jax.random.split(key, 6)
    x = jax.random.normal(ks[0], (B, N, C), dtype=jnp.float32)
    gate_w = jax.random.normal(ks[1], (E, C), dtype=jnp.float32) * 0.02
    w1 = jax.random.normal(ks[2], (E, H, C), dtype=jnp.float32) * (1.0 / np.sqrt(C))
    b1 = jax.random.uniform(ks[3], (E, H), minval=-1.0/np.sqrt(C), maxval=1.0/np.sqrt(C), dtype=jnp.float32)
    w2 = jax.random.normal(ks[4], (E, C, H), dtype=jnp.float32) * (1.0 / np.sqrt(H))
    b2 = jax.random.uniform(ks[5], (E, C), minval=-1.0/np.sqrt(H), maxval=1.0/np.sqrt(H), dtype=jnp.float32)
    return {"x": x, "gate_w": gate_w, "w1": w1, "b1": b1, "w2": w2, "b2": b2}

def reference(x, gate_w, w1, b1, w2, b2):
    # MoEFFN forward, eval mode (no router noise). top_k = 1.
    Bs, Ns, Cs = x.shape
    n_experts = gate_w.shape[0]
    flat_x = x.reshape(-1, Cs)
    T = flat_x.shape[0]
    # --- router ---
    logits = flat_x @ gate_w.T
    probs = jax.nn.softmax(logits, axis=-1)
    top_probs, top_idx = jax.lax.top_k(probs, 1)
    weights = top_probs / (jnp.sum(top_probs, axis=-1, keepdims=True) + 1e-8)
    # --- dispatch: per-expert masked computation (fixed shapes) ---
    token_expert = top_idx[:, 0]

    def body(carry, inp):
        w1e, b1e, w2e, b2e, e = inp
        h = jax.nn.gelu(flat_x @ w1e.T + b1e, approximate=False)
        oe = h @ w2e.T + b2e
        mask = (token_expert == e)[:, None]
        return jnp.where(mask, oe, carry), None

    acc0 = jnp.zeros((T, Cs), dtype=x.dtype)
    expert_ids = jnp.arange(n_experts, dtype=token_expert.dtype)
    unsorted, _ = jax.lax.scan(body, acc0, (w1, b1, w2, b2, expert_ids))
    output = unsorted * weights[:, 0:1]
    return output.reshape(Bs, Ns, Cs)

if __name__ == "__main__":
    import jax
    _d = setup_inputs()
    print(jax.jit(kernel)(*tuple(_d.values())))

</pallas_src>

<mosaic_0001>
#map = affine_map<(d0, d1) -> (0, 0)>
#map1 = affine_map<(d0, d1) -> (0)>
module attributes {stable_mosaic.version = 14 : i64} {
  func.func @_scatter_k(%arg0: i32, %arg1: i32, %arg2: memref<8192x768xf32, #tpu.memory_space<hbm>>, %arg3: memref<8192xi32, #tpu.memory_space<hbm>>, %arg4: memref<8192x768xf32, #tpu.memory_space<hbm>>, %arg5: memref<2x128xi32, #tpu.memory_space<vmem>>, %arg6: memref<128x768xf32, #tpu.memory_space<vmem>>, %arg7: memref<!tpu.dma_semaphore, #tpu.memory_space<semaphore_mem>>) attributes {dimension_semantics = [#tpu.dimension_semantics<core_parallel>, #tpu.dimension_semantics<subcore_parallel>], iteration_bounds = array<i64: 2, 16>, scalar_prefetch = 0 : i64, scratch_operands = 3 : i64, tpu.core_type = #tpu.core_type<sc_vector_subcore>, window_params = [{transform_indices = #map}, {transform_indices = #map1}, {transform_indices = #map}]} {
    %mul3A = arith.constant 2 : i32
    %mul3A_0 = arith.muli %arg1, %mul3A : i32
    %add3A = arith.addi %mul3A_0, %arg0 : i32
    %mul3A_1 = arith.constant 256 : i32
    %mul3A_2 = arith.muli %add3A, %mul3A_1 : i32
    %add3A_3 = arith.constant 0 : i32
    %add3A_4 = arith.addi %mul3A_2, %add3A_3 : i32
    %run_scoped3A = arith.constant 0 : i32
    "tpu.region"() ({
      %run_scoped3A_38 = tpu.sem_alloc : memref<!tpu.dma_semaphore, #tpu.memory_space<semaphore_mem>>
      %dma_start3A_39 = arith.constant 0 : i32
      %dma_start3A_40 = tpu.memref_slice %arg5[%run_scoped3A, %dma_start3A_39] : memref<2x128xi32, #tpu.memory_space<vmem>> -> memref<1x128xi32, #tpu.memory_space<vmem>>
      %dma_start3A_41 = tpu.memref_squeeze %dma_start3A_40 : memref<1x128xi32, #tpu.memory_space<vmem>> -> memref<128xi32, #tpu.memory_space<vmem>>
      %dma_start3A_42 = tpu.memref_slice %arg3[%add3A_4] : memref<8192xi32, #tpu.memory_space<hbm>> -> memref<128xi32, #tpu.memory_space<hbm>>
      %dma_start3A_43 = arith.constant 0 : i32
      %dma_start3A_44 = tpu.memref_slice %arg5[%run_scoped3A, %dma_start3A_43] : memref<2x128xi32, #tpu.memory_space<vmem>> -> memref<1x128xi32, #tpu.memory_space<vmem>>
      %dma_start3A_45 = tpu.memref_squeeze %dma_start3A_44 : memref<1x128xi32, #tpu.memory_space<vmem>> -> memref<128xi32, #tpu.memory_space<vmem>>
      %dma_start3A_46 = tpu.memref_slice %arg3[%add3A_4] : memref<8192xi32, #tpu.memory_space<hbm>> -> memref<128xi32, #tpu.memory_space<hbm>>
      tpu.enqueue_dma source(%dma_start3A_46 : memref<128xi32, #tpu.memory_space<hbm>>) target(%dma_start3A_45 : memref<128xi32, #tpu.memory_space<vmem>>) target_semaphore(%run_scoped3A_38 : memref<!tpu.dma_semaphore, #tpu.memory_space<semaphore_mem>>)
      %dma_wait3A_47 = arith.constant 0 : i32
      %dma_wait3A_48 = tpu.memref_slice %arg5[%run_scoped3A, %dma_wait3A_47] : memref<2x128xi32, #tpu.memory_space<vmem>> -> memref<1x128xi32, #tpu.memory_space<vmem>>
      %dma_wait3A_49 = tpu.memref_squeeze %dma_wait3A_48 : memref<1x128xi32, #tpu.memory_space<vmem>> -> memref<128xi32, #tpu.memory_space<vmem>>
      %dma_wait3A_50 = tpu.memref_slice %arg3[%add3A_4] : memref<8192xi32, #tpu.memory_space<hbm>> -> memref<128xi32, #tpu.memory_space<hbm>>
      %dma_wait3A_51 = arith.constant 0 : i32
      %dma_wait3A_52 = tpu.memref_slice %arg5[%run_scoped3A, %dma_wait3A_51] : memref<2x128xi32, #tpu.memory_space<vmem>> -> memref<1x128xi32, #tpu.memory_space<vmem>>
      %dma_wait3A_53 = tpu.memref_squeeze %dma_wait3A_52 : memref<1x128xi32, #tpu.memory_space<vmem>> -> memref<128xi32, #tpu.memory_space<vmem>>
      %dma_wait3A_54 = tpu.memref_slice %arg3[%add3A_4] : memref<8192xi32, #tpu.memory_space<hbm>> -> memref<128xi32, #tpu.memory_space<hbm>>
      tpu.wait_dma2 semaphore(%run_scoped3A_38 : memref<!tpu.dma_semaphore, #tpu.memory_space<semaphore_mem>>) src(%dma_wait3A_54 : memref<128xi32, #tpu.memory_space<hbm>>) dst(%dma_wait3A_53 : memref<128xi32, #tpu.memory_space<vmem>>)
      tpu.yield
    }) : () -> ()
    %add3A_5 = arith.constant 128 : i32
    %add3A_6 = arith.addi %mul3A_2, %add3A_5 : i32
    %run_scoped3A_7 = arith.constant 1 : i32
    "tpu.region"() ({
      %run_scoped3A_38 = tpu.sem_alloc : memref<!tpu.dma_semaphore, #tpu.memory_space<semaphore_mem>>
      %dma_start3A_39 = arith.constant 0 : i32
      %dma_start3A_40 = tpu.memref_slice %arg5[%run_scoped3A_7, %dma_start3A_39] : memref<2x128xi32, #tpu.memory_space<vmem>> -> memref<1x128xi32, #tpu.memory_space<vmem>>
      %dma_start3A_41 = tpu.memref_squeeze %dma_start3A_40 : memref<1x128xi32, #tpu.memory_space<vmem>> -> memref<128xi32, #tpu.memory_space<vmem>>
      %dma_start3A_42 = tpu.memref_slice %arg3[%add3A_6] : memref<8192xi32, #tpu.memory_space<hbm>> -> memref<128xi32, #tpu.memory_space<hbm>>
      %dma_start3A_43 = arith.constant 0 : i32
      %dma_start3A_44 = tpu.memref_slice %arg5[%run_scoped3A_7, %dma_start3A_43] : memref<2x128xi32, #tpu.memory_space<vmem>> -> memref<1x128xi32, #tpu.memory_space<vmem>>
      %dma_start3A_45 = tpu.memref_squeeze %dma_start3A_44 : memref<1x128xi32, #tpu.memory_space<vmem>> -> memref<128xi32, #tpu.memory_space<vmem>>
      %dma_start3A_46 = tpu.memref_slice %arg3[%add3A_6] : memref<8192xi32, #tpu.memory_space<hbm>> -> memref<128xi32, #tpu.memory_space<hbm>>
      tpu.enqueue_dma source(%dma_start3A_46 : memref<128xi32, #tpu.memory_space<hbm>>) target(%dma_start3A_45 : memref<128xi32, #tpu.memory_space<vmem>>) target_semaphore(%run_scoped3A_38 : memref<!tpu.dma_semaphore, #tpu.memory_space<semaphore_mem>>)
      %dma_wait3A_47 = arith.constant 0 : i32
      %dma_wait3A_48 = tpu.memref_slice %arg5[%run_scoped3A_7, %dma_wait3A_47] : memref<2x128xi32, #tpu.memory_space<vmem>> -> memref<1x128xi32, #tpu.memory_space<vmem>>
      %dma_wait3A_49 = tpu.memref_squeeze %dma_wait3A_48 : memref<1x128xi32, #tpu.memory_space<vmem>> -> memref<128xi32, #tpu.memory_space<vmem>>
      %dma_wait3A_50 = tpu.memref_slice %arg3[%add3A_6] : memref<8192xi32, #tpu.memory_space<hbm>> -> memref<128xi32, #tpu.memory_space<hbm>>
      %dma_wait3A_51 = arith.constant 0 : i32
      %dma_wait3A_52 = tpu.memref_slice %arg5[%run_scoped3A_7, %dma_wait3A_51] : memref<2x128xi32, #tpu.memory_space<vmem>> -> memref<1x128xi32, #tpu.memory_space<vmem>>
      %dma_wait3A_53 = tpu.memref_squeeze %dma_wait3A_52 : memref<1x128xi32, #tpu.memory_space<vmem>> -> memref<128xi32, #tpu.memory_space<vmem>>
      %dma_wait3A_54 = tpu.memref_slice %arg3[%add3A_6] : memref<8192xi32, #tpu.memory_space<hbm>> -> memref<128xi32, #tpu.memory_space<hbm>>
      tpu.wait_dma2 semaphore(%run_scoped3A_38 : memref<!tpu.dma_semaphore, #tpu.memory_space<semaphore_mem>>) src(%dma_wait3A_54 : memref<128xi32, #tpu.memory_space<hbm>>) dst(%dma_wait3A_53 : memref<128xi32, #tpu.memory_space<vmem>>)
      tpu.yield
    }) : () -> ()
    %add3A_8 = arith.constant 0 : i32
    %add3A_9 = arith.addi %mul3A_2, %add3A_8 : i32
    "tpu.region"() ({
      %run_scoped3A_38 = tpu.sem_alloc : memref<!tpu.dma_semaphore, #tpu.memory_space<semaphore_mem>>
      %dma_start3A_39 = arith.constant 0 : i32
      %dma_start3A_40 = tpu.memref_slice %arg2[%add3A_9, %dma_start3A_39] : memref<8192x768xf32, #tpu.memory_space<hbm>> -> memref<128x768xf32, #tpu.memory_space<hbm>>
      %dma_start3A_41 = arith.constant 0 : i32
      %dma_start3A_42 = tpu.memref_slice %arg2[%add3A_9, %dma_start3A_41] : memref<8192x768xf32, #tpu.memory_space<hbm>> -> memref<128x768xf32, #tpu.memory_space<hbm>>
      tpu.enqueue_dma source(%dma_start3A_42 : memref<128x768xf32, #tpu.memory_space<hbm>>) target(%arg6 : memref<128x768xf32, #tpu.memory_space<vmem>>) target_semaphore(%run_scoped3A_38 : memref<!tpu.dma_semaphore, #tpu.memory_space<semaphore_mem>>)
      %dma_wait3A_43 = arith.constant 0 : i32
      %dma_wait3A_44 = tpu.memref_slice %arg2[%add3A_9, %dma_wait3A_43] : memref<8192x768xf32, #tpu.memory_space<hbm>> -> memref<128x768xf32, #tpu.memory_space<hbm>>
      %dma_wait3A_45 = arith.constant 0 : i32
      %dma_wait3A_46 = tpu.memref_slice %arg2[%add3A_9, %dma_wait3A_45] : memref<8192x768xf32, #tpu.memory_space<hbm>> -> memref<128x768xf32, #tpu.memory_space<hbm>>
      tpu.wait_dma2 semaphore(%run_scoped3A_38 : memref<!tpu.dma_semaphore, #tpu.memory_space<semaphore_mem>>) src(%dma_wait3A_46 : memref<128x768xf32, #tpu.memory_space<hbm>>) dst(%arg6 : memref<128x768xf32, #tpu.memory_space<vmem>>)
      tpu.yield
    }) : () -> ()
    %dma_start3A = arith.constant 0 : i32
    %dma_start3A_10 = arith.constant 0 : i32
    %dma_start3A_11 = tpu.memref_slice %arg5[%dma_start3A, %dma_start3A_10] : memref<2x128xi32, #tpu.memory_space<vmem>> -> memref<1x128xi32, #tpu.memory_space<vmem>>
    %dma_start3A_12 = tpu.memref_squeeze %dma_start3A_11 : memref<1x128xi32, #tpu.memory_space<vmem>> -> memref<128xi32, #tpu.memory_space<vmem>>
    %dma_start3A_13 = arith.constant 0 : i32
    %dma_start3A_14 = arith.constant 0 : i32
    %dma_start3A_15 = tpu.memref_slice %arg4[%dma_start3A_13, %dma_start3A_14] : memref<8192x768xf32, #tpu.memory_space<hbm>> -> memref<8192x768xf32, #tpu.memory_space<hbm>>
    tpu.enqueue_indirect_dma source(%arg6 : memref<128x768xf32, #tpu.memory_space<vmem>>) target(%dma_start3A_15 : memref<8192x768xf32, #tpu.memory_space<hbm>>) offsets(%dma_start3A_12 : memref<128xi32, #tpu.memory_space<vmem>>) semaphore(%arg7 : memref<!tpu.dma_semaphore, #tpu.memory_space<semaphore_mem>>)
    %dma_wait3A = arith.constant 0 : i32
    %dma_wait3A_16 = arith.constant 0 : i32
    %dma_wait3A_17 = tpu.memref_slice %arg5[%dma_wait3A, %dma_wait3A_16] : memref<2x128xi32, #tpu.memory_space<vmem>> -> memref<1x128xi32, #tpu.memory_space<vmem>>
    %dma_wait3A_18 = tpu.memref_squeeze %dma_wait3A_17 : memref<1x128xi32, #tpu.memory_space<vmem>> -> memref<128xi32, #tpu.memory_space<vmem>>
    %dma_wait3A_19 = arith.constant 0 : i32
    %dma_wait3A_20 = arith.constant 0 : i32
    %dma_wait3A_21 = tpu.memref_slice %arg4[%dma_wait3A_19, %dma_wait3A_20] : memref<8192x768xf32, #tpu.memory_space<hbm>> -> memref<8192x768xf32, #tpu.memory_space<hbm>>
    tpu.wait_indirect_dma semaphore(%arg7 : memref<!tpu.dma_semaphore, #tpu.memory_space<semaphore_mem>>) src(%arg6 : memref<128x768xf32, #tpu.memory_space<vmem>>) dst(%dma_wait3A_21 : memref<8192x768xf32, #tpu.memory_space<hbm>>)
    %add3A_22 = arith.constant 128 : i32
    %add3A_23 = arith.addi %mul3A_2, %add3A_22 : i32
    "tpu.region"() ({
      %run_scoped3A_38 = tpu.sem_alloc : memref<!tpu.dma_semaphore, #tpu.memory_space<semaphore_mem>>
      %dma_start3A_39 = arith.constant 0 : i32
      %dma_start3A_40 = tpu.memref_slice %arg2[%add3A_23, %dma_start3A_39] : memref<8192x768xf32, #tpu.memory_space<hbm>> -> memref<128x768xf32, #tpu.memory_space<hbm>>
      %dma_start3A_41 = arith.constant 0 : i32
      %dma_start3A_42 = tpu.memref_slice %arg2[%add3A_23, %dma_start3A_41] : memref<8192x768xf32, #tpu.memory_space<hbm>> -> memref<128x768xf32, #tpu.memory_space<hbm>>
      tpu.enqueue_dma source(%dma_start3A_42 : memref<128x768xf32, #tpu.memory_space<hbm>>) target(%arg6 : memref<128x768xf32, #tpu.memory_space<vmem>>) target_semaphore(%run_scoped3A_38 : memref<!tpu.dma_semaphore, #tpu.memory_space<semaphore_mem>>)
      %dma_wait3A_43 = arith.constant 0 : i32
      %dma_wait3A_44 = tpu.memref_slice %arg2[%add3A_23, %dma_wait3A_43] : memref<8192x768xf32, #tpu.memory_space<hbm>> -> memref<128x768xf32, #tpu.memory_space<hbm>>
      %dma_wait3A_45 = arith.constant 0 : i32
      %dma_wait3A_46 = tpu.memref_slice %arg2[%add3A_23, %dma_wait3A_45] : memref<8192x768xf32, #tpu.memory_space<hbm>> -> memref<128x768xf32, #tpu.memory_space<hbm>>
      tpu.wait_dma2 semaphore(%run_scoped3A_38 : memref<!tpu.dma_semaphore, #tpu.memory_space<semaphore_mem>>) src(%dma_wait3A_46 : memref<128x768xf32, #tpu.memory_space<hbm>>) dst(%arg6 : memref<128x768xf32, #tpu.memory_space<vmem>>)
      tpu.yield
    }) : () -> ()
    %dma_start3A_24 = arith.constant 1 : i32
    %dma_start3A_25 = arith.constant 0 : i32
    %dma_start3A_26 = tpu.memref_slice %arg5[%dma_start3A_24, %dma_start3A_25] : memref<2x128xi32, #tpu.memory_space<vmem>> -> memref<1x128xi32, #tpu.memory_space<vmem>>
    %dma_start3A_27 = tpu.memref_squeeze %dma_start3A_26 : memref<1x128xi32, #tpu.memory_space<vmem>> -> memref<128xi32, #tpu.memory_space<vmem>>
    %dma_start3A_28 = arith.constant 0 : i32
    %dma_start3A_29 = arith.constant 0 : i32
    %dma_start3A_30 = tpu.memref_slice %arg4[%dma_start3A_28, %dma_start3A_29] : memref<8192x768xf32, #tpu.memory_space<hbm>> -> memref<8192x768xf32, #tpu.memory_space<hbm>>
    tpu.enqueue_indirect_dma source(%arg6 : memref<128x768xf32, #tpu.memory_space<vmem>>) target(%dma_start3A_30 : memref<8192x768xf32, #tpu.memory_space<hbm>>) offsets(%dma_start3A_27 : memref<128xi32, #tpu.memory_space<vmem>>) semaphore(%arg7 : memref<!tpu.dma_semaphore, #tpu.memory_space<semaphore_mem>>)
    %dma_wait3A_31 = arith.constant 1 : i32
    %dma_wait3A_32 = arith.constant 0 : i32
    %dma_wait3A_33 = tpu.memref_slice %arg5[%dma_wait3A_31, %dma_wait3A_32] : memref<2x128xi32, #tpu.memory_space<vmem>> -> memref<1x128xi32, #tpu.memory_space<vmem>>
    %dma_wait3A_34 = tpu.memref_squeeze %dma_wait3A_33 : memref<1x128xi32, #tpu.memory_space<vmem>> -> memref<128xi32, #tpu.memory_space<vmem>>
    %dma_wait3A_35 = arith.constant 0 : i32
    %dma_wait3A_36 = arith.constant 0 : i32
    %dma_wait3A_37 = tpu.memref_slice %arg4[%dma_wait3A_35, %dma_wait3A_36] : memref<8192x768xf32, #tpu.memory_space<hbm>> -> memref<8192x768xf32, #tpu.memory_space<hbm>>
    tpu.wait_indirect_dma semaphore(%arg7 : memref<!tpu.dma_semaphore, #tpu.memory_space<semaphore_mem>>) src(%arg6 : memref<128x768xf32, #tpu.memory_space<vmem>>) dst(%dma_wait3A_37 : memref<8192x768xf32, #tpu.memory_space<hbm>>)
    return
  }
}

#map = affine_map<(d0, d1) -> (0, 0)>
#map1 = affine_map<(d0, d1) -> (0)>
module attributes {stable_mosaic.version = 14 : i64} {
  func.func @_gather_k(%arg0: i32, %arg1: i32, %arg2: memref<8192x768xf32, #tpu.memory_space<hbm>>, %arg3: memref<8192xi32, #tpu.memory_space<hbm>>, %arg4: memref<8192x768xf32, #tpu.memory_space<hbm>>, %arg5: memref<2x128xi32, #tpu.memory_space<vmem>>, %arg6: memref<128x768xf32, #tpu.memory_space<vmem>>, %arg7: memref<!tpu.dma_semaphore, #tpu.memory_space<semaphore_mem>>) attributes {dimension_semantics = [#tpu.dimension_semantics<core_parallel>, #tpu.dimension_semantics<subcore_parallel>], iteration_bounds = array<i64: 2, 16>, scalar_prefetch = 0 : i64, scratch_operands = 3 : i64, tpu.core_type = #tpu.core_type<sc_vector_subcore>, window_params = [{transform_indices = #map}, {transform_indices = #map1}, {transform_indices = #map}]} {
    %mul3A = arith.constant 2 : i32
    %mul3A_0 = arith.muli %arg1, %mul3A : i32
    %add3A = arith.addi %mul3A_0, %arg0 : i32
    %mul3A_1 = arith.constant 256 : i32
    %mul3A_2 = arith.muli %add3A, %mul3A_1 : i32
    %add3A_3 = arith.constant 0 : i32
    %add3A_4 = arith.addi %mul3A_2, %add3A_3 : i32
    %run_scoped3A = arith.constant 0 : i32
    "tpu.region"() ({
      %run_scoped3A_38 = tpu.sem_alloc : memref<!tpu.dma_semaphore, #tpu.memory_space<semaphore_mem>>
      %dma_start3A_39 = arith.constant 0 : i32
      %dma_start3A_40 = tpu.memref_slice %arg5[%run_scoped3A, %dma_start3A_39] : memref<2x128xi32, #tpu.memory_space<vmem>> -> memref<1x128xi32, #tpu.memory_space<vmem>>
      %dma_start3A_41 = tpu.memref_squeeze %dma_start3A_40 : memref<1x128xi32, #tpu.memory_space<vmem>> -> memref<128xi32, #tpu.memory_space<vmem>>
      %dma_start3A_42 = tpu.memref_slice %arg3[%add3A_4] : memref<8192xi32, #tpu.memory_space<hbm>> -> memref<128xi32, #tpu.memory_space<hbm>>
      %dma_start3A_43 = arith.constant 0 : i32
      %dma_start3A_44 = tpu.memref_slice %arg5[%run_scoped3A, %dma_start3A_43] : memref<2x128xi32, #tpu.memory_space<vmem>> -> memref<1x128xi32, #tpu.memory_space<vmem>>
      %dma_start3A_45 = tpu.memref_squeeze %dma_start3A_44 : memref<1x128xi32, #tpu.memory_space<vmem>> -> memref<128xi32, #tpu.memory_space<vmem>>
      %dma_start3A_46 = tpu.memref_slice %arg3[%add3A_4] : memref<8192xi32, #tpu.memory_space<hbm>> -> memref<128xi32, #tpu.memory_space<hbm>>
      tpu.enqueue_dma source(%dma_start3A_46 : memref<128xi32, #tpu.memory_space<hbm>>) target(%dma_start3A_45 : memref<128xi32, #tpu.memory_space<vmem>>) target_semaphore(%run_scoped3A_38 : memref<!tpu.dma_semaphore, #tpu.memory_space<semaphore_mem>>)
      %dma_wait3A_47 = arith.constant 0 : i32
      %dma_wait3A_48 = tpu.memref_slice %arg5[%run_scoped3A, %dma_wait3A_47] : memref<2x128xi32, #tpu.memory_space<vmem>> -> memref<1x128xi32, #tpu.memory_space<vmem>>
      %dma_wait3A_49 = tpu.memref_squeeze %dma_wait3A_48 : memref<1x128xi32, #tpu.memory_space<vmem>> -> memref<128xi32, #tpu.memory_space<vmem>>
      %dma_wait3A_50 = tpu.memref_slice %arg3[%add3A_4] : memref<8192xi32, #tpu.memory_space<hbm>> -> memref<128xi32, #tpu.memory_space<hbm>>
      %dma_wait3A_51 = arith.constant 0 : i32
      %dma_wait3A_52 = tpu.memref_slice %arg5[%run_scoped3A, %dma_wait3A_51] : memref<2x128xi32, #tpu.memory_space<vmem>> -> memref<1x128xi32, #tpu.memory_space<vmem>>
      %dma_wait3A_53 = tpu.memref_squeeze %dma_wait3A_52 : memref<1x128xi32, #tpu.memory_space<vmem>> -> memref<128xi32, #tpu.memory_space<vmem>>
      %dma_wait3A_54 = tpu.memref_slice %arg3[%add3A_4] : memref<8192xi32, #tpu.memory_space<hbm>> -> memref<128xi32, #tpu.memory_space<hbm>>
      tpu.wait_dma2 semaphore(%run_scoped3A_38 : memref<!tpu.dma_semaphore, #tpu.memory_space<semaphore_mem>>) src(%dma_wait3A_54 : memref<128xi32, #tpu.memory_space<hbm>>) dst(%dma_wait3A_53 : memref<128xi32, #tpu.memory_space<vmem>>)
      tpu.yield
    }) : () -> ()
    %add3A_5 = arith.constant 128 : i32
    %add3A_6 = arith.addi %mul3A_2, %add3A_5 : i32
    %run_scoped3A_7 = arith.constant 1 : i32
    "tpu.region"() ({
      %run_scoped3A_38 = tpu.sem_alloc : memref<!tpu.dma_semaphore, #tpu.memory_space<semaphore_mem>>
      %dma_start3A_39 = arith.constant 0 : i32
      %dma_start3A_40 = tpu.memref_slice %arg5[%run_scoped3A_7, %dma_start3A_39] : memref<2x128xi32, #tpu.memory_space<vmem>> -> memref<1x128xi32, #tpu.memory_space<vmem>>
      %dma_start3A_41 = tpu.memref_squeeze %dma_start3A_40 : memref<1x128xi32, #tpu.memory_space<vmem>> -> memref<128xi32, #tpu.memory_space<vmem>>
      %dma_start3A_42 = tpu.memref_slice %arg3[%add3A_6] : memref<8192xi32, #tpu.memory_space<hbm>> -> memref<128xi32, #tpu.memory_space<hbm>>
      %dma_start3A_43 = arith.constant 0 : i32
      %dma_start3A_44 = tpu.memref_slice %arg5[%run_scoped3A_7, %dma_start3A_43] : memref<2x128xi32, #tpu.memory_space<vmem>> -> memref<1x128xi32, #tpu.memory_space<vmem>>
      %dma_start3A_45 = tpu.memref_squeeze %dma_start3A_44 : memref<1x128xi32, #tpu.memory_space<vmem>> -> memref<128xi32, #tpu.memory_space<vmem>>
      %dma_start3A_46 = tpu.memref_slice %arg3[%add3A_6] : memref<8192xi32, #tpu.memory_space<hbm>> -> memref<128xi32, #tpu.memory_space<hbm>>
      tpu.enqueue_dma source(%dma_start3A_46 : memref<128xi32, #tpu.memory_space<hbm>>) target(%dma_start3A_45 : memref<128xi32, #tpu.memory_space<vmem>>) target_semaphore(%run_scoped3A_38 : memref<!tpu.dma_semaphore, #tpu.memory_space<semaphore_mem>>)
      %dma_wait3A_47 = arith.constant 0 : i32
      %dma_wait3A_48 = tpu.memref_slice %arg5[%run_scoped3A_7, %dma_wait3A_47] : memref<2x128xi32, #tpu.memory_space<vmem>> -> memref<1x128xi32, #tpu.memory_space<vmem>>
      %dma_wait3A_49 = tpu.memref_squeeze %dma_wait3A_48 : memref<1x128xi32, #tpu.memory_space<vmem>> -> memref<128xi32, #tpu.memory_space<vmem>>
      %dma_wait3A_50 = tpu.memref_slice %arg3[%add3A_6] : memref<8192xi32, #tpu.memory_space<hbm>> -> memref<128xi32, #tpu.memory_space<hbm>>
      %dma_wait3A_51 = arith.constant 0 : i32
      %dma_wait3A_52 = tpu.memref_slice %arg5[%run_scoped3A_7, %dma_wait3A_51] : memref<2x128xi32, #tpu.memory_space<vmem>> -> memref<1x128xi32, #tpu.memory_space<vmem>>
      %dma_wait3A_53 = tpu.memref_squeeze %dma_wait3A_52 : memref<1x128xi32, #tpu.memory_space<vmem>> -> memref<128xi32, #tpu.memory_space<vmem>>
      %dma_wait3A_54 = tpu.memref_slice %arg3[%add3A_6] : memref<8192xi32, #tpu.memory_space<hbm>> -> memref<128xi32, #tpu.memory_space<hbm>>
      tpu.wait_dma2 semaphore(%run_scoped3A_38 : memref<!tpu.dma_semaphore, #tpu.memory_space<semaphore_mem>>) src(%dma_wait3A_54 : memref<128xi32, #tpu.memory_space<hbm>>) dst(%dma_wait3A_53 : memref<128xi32, #tpu.memory_space<vmem>>)
      tpu.yield
    }) : () -> ()
    %dma_start3A = arith.constant 0 : i32
    %dma_start3A_8 = arith.constant 0 : i32
    %dma_start3A_9 = tpu.memref_slice %arg5[%dma_start3A, %dma_start3A_8] : memref<2x128xi32, #tpu.memory_space<vmem>> -> memref<1x128xi32, #tpu.memory_space<vmem>>
    %dma_start3A_10 = tpu.memref_squeeze %dma_start3A_9 : memref<1x128xi32, #tpu.memory_space<vmem>> -> memref<128xi32, #tpu.memory_space<vmem>>
    %dma_start3A_11 = arith.constant 0 : i32
    %dma_start3A_12 = arith.constant 0 : i32
    %dma_start3A_13 = tpu.memref_slice %arg2[%dma_start3A_11, %dma_start3A_12] : memref<8192x768xf32, #tpu.memory_space<hbm>> -> memref<8192x768xf32, #tpu.memory_space<hbm>>
    tpu.enqueue_indirect_dma source(%dma_start3A_13 : memref<8192x768xf32, #tpu.memory_space<hbm>>) target(%arg6 : memref<128x768xf32, #tpu.memory_space<vmem>>) offsets(%dma_start3A_10 : memref<128xi32, #tpu.memory_space<vmem>>) semaphore(%arg7 : memref<!tpu.dma_semaphore, #tpu.memory_space<semaphore_mem>>)
    %dma_wait3A = arith.constant 0 : i32
    %dma_wait3A_14 = arith.constant 0 : i32
    %dma_wait3A_15 = tpu.memref_slice %arg5[%dma_wait3A, %dma_wait3A_14] : memref<2x128xi32, #tpu.memory_space<vmem>> -> memref<1x128xi32, #tpu.memory_space<vmem>>
    %dma_wait3A_16 = tpu.memref_squeeze %dma_wait3A_15 : memref<1x128xi32, #tpu.memory_space<vmem>> -> memref<128xi32, #tpu.memory_space<vmem>>
    %dma_wait3A_17 = arith.constant 0 : i32
    %dma_wait3A_18 = arith.constant 0 : i32
    %dma_wait3A_19 = tpu.memref_slice %arg2[%dma_wait3A_17, %dma_wait3A_18] : memref<8192x768xf32, #tpu.memory_space<hbm>> -> memref<8192x768xf32, #tpu.memory_space<hbm>>
    tpu.wait_indirect_dma semaphore(%arg7 : memref<!tpu.dma_semaphore, #tpu.memory_space<semaphore_mem>>) src(%dma_wait3A_19 : memref<8192x768xf32, #tpu.memory_space<hbm>>) dst(%arg6 : memref<128x768xf32, #tpu.memory_space<vmem>>)
    %add3A_20 = arith.constant 0 : i32
    %add3A_21 = arith.addi %mul3A_2, %add3A_20 : i32
    "tpu.region"() ({
      %run_scoped3A_38 = tpu.sem_alloc : memref<!tpu.dma_semaphore, #tpu.memory_space<semaphore_mem>>
      %dma_start3A_39 = arith.constant 0 : i32
      %dma_start3A_40 = tpu.memref_slice %arg4[%add3A_21, %dma_start3A_39] : memref<8192x768xf32, #tpu.memory_space<hbm>> -> memref<128x768xf32, #tpu.memory_space<hbm>>
      %dma_start3A_41 = arith.constant 0 : i32
      %dma_start3A_42 = tpu.memref_slice %arg4[%add3A_21, %dma_start3A_41] : memref<8192x768xf32, #tpu.memory_space<hbm>> -> memref<128x768xf32, #tpu.memory_space<hbm>>
      tpu.enqueue_dma source(%arg6 : memref<128x768xf32, #tpu.memory_space<vmem>>) target(%dma_start3A_42 : memref<128x768xf32, #tpu.memory_space<hbm>>) target_semaphore(%run_scoped3A_38 : memref<!tpu.dma_semaphore, #tpu.memory_space<semaphore_mem>>)
      %dma_wait3A_43 = arith.constant 0 : i32
      %dma_wait3A_44 = tpu.memref_slice %arg4[%add3A_21, %dma_wait3A_43] : memref<8192x768xf32, #tpu.memory_space<hbm>> -> memref<128x768xf32, #tpu.memory_space<hbm>>
      %dma_wait3A_45 = arith.constant 0 : i32
      %dma_wait3A_46 = tpu.memref_slice %arg4[%add3A_21, %dma_wait3A_45] : memref<8192x768xf32, #tpu.memory_space<hbm>> -> memref<128x768xf32, #tpu.memory_space<hbm>>
      tpu.wait_dma2 semaphore(%run_scoped3A_38 : memref<!tpu.dma_semaphore, #tpu.memory_space<semaphore_mem>>) src(%arg6 : memref<128x768xf32, #tpu.memory_space<vmem>>) dst(%dma_wait3A_46 : memref<128x768xf32, #tpu.memory_space<hbm>>)
      tpu.yield
    }) : () -> ()
    %dma_start3A_22 = arith.constant 1 : i32
    %dma_start3A_23 = arith.constant 0 : i32
    %dma_start3A_24 = tpu.memref_slice %arg5[%dma_start3A_22, %dma_start3A_23] : memref<2x128xi32, #tpu.memory_space<vmem>> -> memref<1x128xi32, #tpu.memory_space<vmem>>
    %dma_start3A_25 = tpu.memref_squeeze %dma_start3A_24 : memref<1x128xi32, #tpu.memory_space<vmem>> -> memref<128xi32, #tpu.memory_space<vmem>>
    %dma_start3A_26 = arith.constant 0 : i32
    %dma_start3A_27 = arith.constant 0 : i32
    %dma_start3A_28 = tpu.memref_slice %arg2[%dma_start3A_26, %dma_start3A_27] : memref<8192x768xf32, #tpu.memory_space<hbm>> -> memref<8192x768xf32, #tpu.memory_space<hbm>>
    tpu.enqueue_indirect_dma source(%dma_start3A_28 : memref<8192x768xf32, #tpu.memory_space<hbm>>) target(%arg6 : memref<128x768xf32, #tpu.memory_space<vmem>>) offsets(%dma_start3A_25 : memref<128xi32, #tpu.memory_space<vmem>>) semaphore(%arg7 : memref<!tpu.dma_semaphore, #tpu.memory_space<semaphore_mem>>)
    %dma_wait3A_29 = arith.constant 1 : i32
    %dma_wait3A_30 = arith.constant 0 : i32
    %dma_wait3A_31 = tpu.memref_slice %arg5[%dma_wait3A_29, %dma_wait3A_30] : memref<2x128xi32, #tpu.memory_space<vmem>> -> memref<1x128xi32, #tpu.memory_space<vmem>>
    %dma_wait3A_32 = tpu.memref_squeeze %dma_wait3A_31 : memref<1x128xi32, #tpu.memory_space<vmem>> -> memref<128xi32, #tpu.memory_space<vmem>>
    %dma_wait3A_33 = arith.constant 0 : i32
    %dma_wait3A_34 = arith.constant 0 : i32
    %dma_wait3A_35 = tpu.memref_slice %arg2[%dma_wait3A_33, %dma_wait3A_34] : memref<8192x768xf32, #tpu.memory_space<hbm>> -> memref<8192x768xf32, #tpu.memory_space<hbm>>
    tpu.wait_indirect_dma semaphore(%arg7 : memref<!tpu.dma_semaphore, #tpu.memory_space<semaphore_mem>>) src(%dma_wait3A_35 : memref<8192x768xf32, #tpu.memory_space<hbm>>) dst(%arg6 : memref<128x768xf32, #tpu.memory_space<vmem>>)
    %add3A_36 = arith.constant 128 : i32
    %add3A_37 = arith.addi %mul3A_2, %add3A_36 : i32
    "tpu.region"() ({
      %run_scoped3A_38 = tpu.sem_alloc : memref<!tpu.dma_semaphore, #tpu.memory_space<semaphore_mem>>
      %dma_start3A_39 = arith.constant 0 : i32
      %dma_start3A_40 = tpu.memref_slice %arg4[%add3A_37, %dma_start3A_39] : memref<8192x768xf32, #tpu.memory_space<hbm>> -> memref<128x768xf32, #tpu.memory_space<hbm>>
      %dma_start3A_41 = arith.constant 0 : i32
      %dma_start3A_42 = tpu.memref_slice %arg4[%add3A_37, %dma_start3A_41] : memref<8192x768xf32, #tpu.memory_space<hbm>> -> memref<128x768xf32, #tpu.memory_space<hbm>>
      tpu.enqueue_dma source(%arg6 : memref<128x768xf32, #tpu.memory_space<vmem>>) target(%dma_start3A_42 : memref<128x768xf32, #tpu.memory_space<hbm>>) target_semaphore(%run_scoped3A_38 : memref<!tpu.dma_semaphore, #tpu.memory_space<semaphore_mem>>)
      %dma_wait3A_43 = arith.constant 0 : i32
      %dma_wait3A_44 = tpu.memref_slice %arg4[%add3A_37, %dma_wait3A_43] : memref<8192x768xf32, #tpu.memory_space<hbm>> -> memref<128x768xf32, #tpu.memory_space<hbm>>
      %dma_wait3A_45 = arith.constant 0 : i32
      %dma_wait3A_46 = tpu.memref_slice %arg4[%add3A_37, %dma_wait3A_45] : memref<8192x768xf32, #tpu.memory_space<hbm>> -> memref<128x768xf32, #tpu.memory_space<hbm>>
      tpu.wait_dma2 semaphore(%run_scoped3A_38 : memref<!tpu.dma_semaphore, #tpu.memory_space<semaphore_mem>>) src(%arg6 : memref<128x768xf32, #tpu.memory_space<vmem>>) dst(%dma_wait3A_46 : memref<128x768xf32, #tpu.memory_space<hbm>>)
      tpu.yield
    }) : () -> ()
    return
  }
}

module attributes {stable_mosaic.version = 14 : i64} {
  func.func @_router_body(%arg0: i32, %arg1: memref<256x768xf32, #tpu.memory_space<vmem>>, %arg2: memref<64x768xf32, #tpu.memory_space<vmem>>, %arg3: memref<1x1x256xi32, #tpu.memory_space<vmem>>, %arg4: memref<1x1x256xi32, #tpu.memory_space<vmem>>, %arg5: memref<8x64xf32, #tpu.memory_space<vmem>>, %arg6: memref<8x64xf32, #tpu.memory_space<vmem>>) attributes {dimension_semantics = [#tpu.dimension_semantics<arbitrary>], iteration_bounds = array<i64: 32>, scalar_prefetch = 0 : i64, scratch_operands = 1 : i64, tpu.core_type = #tpu.core_type<tc>, window_params = [{transform_indices = @transform_0, window_bounds = array<i64: 256, 768>}, {pipeline_mode = #tpu.pipeline_mode<synchronous>, transform_indices = @transform_1, window_bounds = array<i64: 64, 768>}, {transform_indices = @transform_2, window_bounds = array<i64: 1, 1, 256>}, {transform_indices = @transform_3, window_bounds = array<i64: 1, 1, 256>}, {pipeline_mode = #tpu.pipeline_mode<synchronous>, transform_indices = @transform_4, window_bounds = array<i64: 8, 64>}]} {
    %eq3A = arith.constant 0 : i32
    %eq3A_0 = arith.cmpi eq, %arg0, %eq3A : i32
    %convert_element_type3A = arith.extui %eq3A_0 : i1 to i32
    %cond3A = arith.constant 0 : i32
    %cond3A_1 = arith.cmpi ne, %convert_element_type3A, %cond3A : i32
    scf.if %cond3A_1 {
      %broadcast_in_dim3A_54 = arith.constant 0.000000e+00 : f32
      %broadcast_in_dim3A_55 = vector.broadcast %broadcast_in_dim3A_54 : f32 to vector<8x64xf32>
      %swap3A_56 = arith.constant 0 : index
      %swap3A_57 = arith.constant 0 : index
      %swap3A_58 = vector.load %arg6[%swap3A_56, %swap3A_57] : memref<8x64xf32, #tpu.memory_space<vmem>>, vector<8x64xf32>
      tpu.vector_store %arg6[%swap3A_56, %swap3A_57], %broadcast_in_dim3A_55 {strides = array<i32>} : memref<8x64xf32, #tpu.memory_space<vmem>>, vector<8x64xf32>,
    } else {
    }
    %get3A = arith.constant 0 : index
    %get3A_2 = arith.constant 0 : index
    %get3A_3 = vector.load %arg1[%get3A, %get3A_2] : memref<256x768xf32, #tpu.memory_space<vmem>>, vector<256x768xf32>
    %get3A_4 = arith.constant 0 : index
    %get3A_5 = arith.constant 0 : index
    %get3A_6 = vector.load %arg2[%get3A_4, %get3A_5] : memref<64x768xf32, #tpu.memory_space<vmem>>, vector<64x768xf32>
    %dot_general3A = arith.constant dense<0.000000e+00> : vector<256x64xf32>
    %dot_general3A_7 = tpu.matmul %get3A_3, %get3A_6, %dot_general3A {dimension_numbers = #tpu.dot_dimension_numbers<[1], [1], [0], [0], [0, 0, 1, 0], [], []>, transpose_lhs_hint = false} : vector<256x768xf32>, vector<64x768xf32>, vector<256x64xf32> -> vector<256x64xf32>
    %reduce_max3A = arith.constant dense<0xFF800000> : vector<256xf32>
    %reduce_max3A_8 = vector.multi_reduction <maximumf>, %dot_general3A_7, %reduce_max3A [1] : vector<256x64xf32> to vector<256xf32>
    %broadcast_in_dim3A = vector.shape_cast %reduce_max3A_8 : vector<256xf32> to vector<256x1xf32>
    %iota3A = tpu.iota {dimensions = array<i32: 1>} : vector<256x64xi32>
    %ge3A = vector.broadcast %broadcast_in_dim3A : vector<256x1xf32> to vector<256x64xf32>
    %ge3A_9 = arith.cmpf oge, %dot_general3A_7, %ge3A : vector<256x64xf32>
    %jit3A = arith.constant 64 : i32
    %broadcast_in_dim3A_10 = vector.broadcast %jit3A : i32 to vector<256x64xi32>
    %select_n3A = arith.select %ge3A_9, %iota3A, %broadcast_in_dim3A_10 : vector<256x64xi1>, vector<256x64xi32>
    %reduce_min3A = arith.constant dense<2147483647> : vector<256xi32>
    %reduce_min3A_11 = vector.multi_reduction <minsi>, %select_n3A, %reduce_min3A [1] : vector<256x64xi32> to vector<256xi32>
    %broadcast_in_dim3A_12 = vector.shape_cast %reduce_min3A_11 : vector<256xi32> to vector<256x1xi32>
    %eq3A_13 = vector.broadcast %broadcast_in_dim3A_12 : vector<256x1xi32> to vector<256x64xi32>
    %eq3A_14 = arith.cmpi eq, %iota3A, %eq3A_13 : vector<256x64xi32>
    %convert_element_type3A_15 = arith.extui %eq3A_14 : vector<256x64xi1> to vector<256x64xi32>
    %convert_element_type3A_16 = arith.sitofp %convert_element_type3A_15 : vector<256x64xi32> to vector<256x64xf32>
    %iota3A_17 = tpu.iota {dimensions = array<i32: 0>} : vector<256x256xi32>
    %iota3A_18 = tpu.iota {dimensions = array<i32: 1>} : vector<256x256xi32>
    %ge3A_19 = arith.cmpi sge, %iota3A_17, %iota3A_18 : vector<256x256xi32>
    %convert_element_type3A_20 = arith.extui %ge3A_19 : vector<256x256xi1> to vector<256x256xi32>
    %convert_element_type3A_21 = arith.sitofp %convert_element_type3A_20 : vector<256x256xi32> to vector<256x256xf32>
    %dot_general3A_22 = arith.constant dense<0.000000e+00> : vector<256x64xf32>
    %dot_general3A_23 = tpu.matmul %convert_element_type3A_21, %convert_element_type3A_16, %dot_general3A_22 {dimension_numbers = #tpu.dot_dimension_numbers<[1], [0], [0], [1], [0, 0, 1, 1], [], []>, transpose_lhs_hint = false} : vector<256x256xf32>, vector<256x64xf32>, vector<256x64xf32> -> vector<256x64xf32>
    %get3A_24 = arith.constant 0 : index
    %get3A_25 = arith.constant 0 : index
    %get3A_26 = vector.load %arg6[%get3A_24, %get3A_25] : memref<8x64xf32, #tpu.memory_space<vmem>>, vector<1x64xf32>
    %sub3A = arith.constant 1.000000e+00 : f32
    %sub3A_27 = vector.broadcast %sub3A : f32 to vector<256x64xf32>
    %sub3A_28 = arith.subf %dot_general3A_23, %sub3A_27 : vector<256x64xf32>
    %add3A = vector.broadcast %get3A_26 : vector<1x64xf32> to vector<256x64xf32>
    %add3A_29 = arith.addf %sub3A_28, %add3A : vector<256x64xf32>
    %mul3A = arith.mulf %convert_element_type3A_16, %add3A_29 : vector<256x64xf32>
    %reduce_sum3A = arith.constant dense<0.000000e+00> : vector<256xf32>
    %reduce_sum3A_30 = vector.multi_reduction <add>, %mul3A, %reduce_sum3A [1] : vector<256x64xf32> to vector<256xf32>
    %reshape3A = vector.shape_cast %reduce_min3A_11 : vector<256xi32> to vector<1x1x256xi32>
    %swap3A = arith.constant 0 : index
    %swap3A_31 = arith.constant 0 : index
    %swap3A_32 = arith.constant 0 : index
    %swap3A_33 = vector.load %arg3[%swap3A, %swap3A_31, %swap3A_32] : memref<1x1x256xi32, #tpu.memory_space<vmem>>, vector<1x1x256xi32>
    tpu.vector_store %arg3[%swap3A, %swap3A_31, %swap3A_32], %reshape3A {strides = array<i32>} : memref<1x1x256xi32, #tpu.memory_space<vmem>>, vector<1x1x256xi32>,
    %convert_element_type3A_34 = arith.fptosi %reduce_sum3A_30 : vector<256xf32> to vector<256xi32>
    %reshape3A_35 = vector.shape_cast %convert_element_type3A_34 : vector<256xi32> to vector<1x1x256xi32>
    %swap3A_36 = arith.constant 0 : index
    %swap3A_37 = arith.constant 0 : index
    %swap3A_38 = arith.constant 0 : index
    %swap3A_39 = vector.load %arg4[%swap3A_36, %swap3A_37, %swap3A_38] : memref<1x1x256xi32, #tpu.memory_space<vmem>>, vector<1x1x256xi32>
    tpu.vector_store %arg4[%swap3A_36, %swap3A_37, %swap3A_38], %reshape3A_35 {strides = array<i32>} : memref<1x1x256xi32, #tpu.memory_space<vmem>>, vector<1x1x256xi32>,
    %reduce_sum3A_40 = arith.constant dense<0.000000e+00> : vector<64xf32>
    %reduce_sum3A_41 = vector.multi_reduction <add>, %convert_element_type3A_16, %reduce_sum3A_40 [0] : vector<256x64xf32> to vector<64xf32>
    %broadcast_in_dim3A_42 = vector.shape_cast %reduce_sum3A_41 : vector<64xf32> to vector<1x64xf32>
    %add3A_43 = arith.addf %get3A_26, %broadcast_in_dim3A_42 : vector<1x64xf32>
    %broadcast_in_dim3A_44 = vector.shape_cast %add3A_43 : vector<1x64xf32> to vector<1x64xf32>
    %broadcast_in_dim3A_45 = vector.broadcast %broadcast_in_dim3A_44 : vector<1x64xf32> to vector<8x64xf32>
    %swap3A_46 = arith.constant 0 : index
    %swap3A_47 = arith.constant 0 : index
    %swap3A_48 = vector.load %arg6[%swap3A_46, %swap3A_47] : memref<8x64xf32, #tpu.memory_space<vmem>>, vector<8x64xf32>
    tpu.vector_store %arg6[%swap3A_46, %swap3A_47], %broadcast_in_dim3A_45 {strides = array<i32>} : memref<8x64xf32, #tpu.memory_space<vmem>>, vector<8x64xf32>,
    %eq3A_49 = arith.constant 31 : i32
    %eq3A_50 = arith.cmpi eq, %arg0, %eq3A_49 : i32
    %convert_element_type3A_51 = arith.extui %eq3A_50 : i1 to i32
    %cond3A_52 = arith.constant 0 : i32
    %cond3A_53 = arith.cmpi ne, %convert_element_type3A_51, %cond3A_52 : i32
    scf.if %cond3A_53 {
      %broadcast_in_dim3A_54 = vector.shape_cast %add3A_43 : vector<1x64xf32> to vector<1x64xf32>
      %broadcast_in_dim3A_55 = vector.broadcast %broadcast_in_dim3A_54 : vector<1x64xf32> to vector<8x64xf32>
      %swap3A_56 = arith.constant 0 : index
      %swap3A_57 = arith.constant 0 : index
      %swap3A_58 = vector.load %arg5[%swap3A_56, %swap3A_57] : memref<8x64xf32, #tpu.memory_space<vmem>>, vector<8x64xf32>
      tpu.vector_store %arg5[%swap3A_56, %swap3A_57], %broadcast_in_dim3A_55 {strides = array<i32>} : memref<8x64xf32, #tpu.memory_space<vmem>>, vector<8x64xf32>,
    } else {
    }
    return
  }
  func.func @transform_0(%arg0: i32) -> (i32, i32) {
    %c0_i32 = arith.constant 0 : i32
    %c0_i32_0 = arith.constant 0 : i32
    return %arg0, %c0_i32 : i32, i32
  }
  func.func @transform_1(%arg0: i32) -> (i32, i32) {
    %c0_i32 = arith.constant 0 : i32
    %c0_i32_0 = arith.constant 0 : i32
    %c0_i32_1 = arith.constant 0 : i32
    return %c0_i32, %c0_i32_0 : i32, i32
  }
  func.func @transform_2(%arg0: i32) -> (i32, i32, i32) {
    %c0_i32 = arith.constant 0 : i32
    %c0_i32_0 = arith.constant 0 : i32
    %c0_i32_1 = arith.constant 0 : i32
    return %arg0, %c0_i32, %c0_i32_0 : i32, i32, i32
  }
  func.func @transform_3(%arg0: i32) -> (i32, i32, i32) {
    %c0_i32 = arith.constant 0 : i32
    %c0_i32_0 = arith.constant 0 : i32
    %c0_i32_1 = arith.constant 0 : i32
    return %arg0, %c0_i32, %c0_i32_0 : i32, i32, i32
  }
  func.func @transform_4(%arg0: i32) -> (i32, i32) {
    %c0_i32 = arith.constant 0 : i32
    %c0_i32_0 = arith.constant 0 : i32
    %c0_i32_1 = arith.constant 0 : i32
    return %c0_i32, %c0_i32_0 : i32, i32
  }
}

module attributes {stable_mosaic.version = 14 : i64} {
  func.func @_pos_body(%arg0: i32, %arg1: memref<1x1x256xi32, #tpu.memory_space<vmem>>, %arg2: memref<1x1x256xi32, #tpu.memory_space<vmem>>, %arg3: memref<8x64xf32, #tpu.memory_space<vmem>>, %arg4: memref<1x1x256xi32, #tpu.memory_space<vmem>>) attributes {dimension_semantics = [#tpu.dimension_semantics<arbitrary>], iteration_bounds = array<i64: 32>, scalar_prefetch = 0 : i64, scratch_operands = 0 : i64, tpu.core_type = #tpu.core_type<tc>, window_params = [{transform_indices = @transform_0, window_bounds = array<i64: 1, 1, 256>}, {transform_indices = @transform_1, window_bounds = array<i64: 1, 1, 256>}, {pipeline_mode = #tpu.pipeline_mode<synchronous>, transform_indices = @transform_2, window_bounds = array<i64: 8, 64>}, {transform_indices = @transform_3, window_bounds = array<i64: 1, 1, 256>}]} {
    %get3A = arith.constant 0 : index
    %get3A_0 = arith.constant 0 : index
    %get3A_1 = vector.load %arg3[%get3A, %get3A_0] : memref<8x64xf32, #tpu.memory_space<vmem>>, vector<1x64xf32>
    %iota3A = tpu.iota {dimensions = array<i32: 0>} : vector<64x64xi32>
    %iota3A_2 = tpu.iota {dimensions = array<i32: 1>} : vector<64x64xi32>
    %lt3A = arith.cmpi slt, %iota3A, %iota3A_2 : vector<64x64xi32>
    %convert_element_type3A = arith.extui %lt3A : vector<64x64xi1> to vector<64x64xi32>
    %convert_element_type3A_3 = arith.sitofp %convert_element_type3A : vector<64x64xi32> to vector<64x64xf32>
    %dot_general3A = arith.constant dense<0.000000e+00> : vector<1x64xf32>
    %dot_general3A_4 = tpu.matmul %get3A_1, %convert_element_type3A_3, %dot_general3A {dimension_numbers = #tpu.dot_dimension_numbers<[1], [0], [0], [1], [0, 0, 1, 1], [], []>, transpose_lhs_hint = false} : vector<1x64xf32>, vector<64x64xf32>, vector<1x64xf32> -> vector<1x64xf32>
    %get3A_5 = arith.constant 0 : index
    %get3A_6 = arith.constant 0 : index
    %get3A_7 = arith.constant 0 : index
    %get3A_8 = vector.load %arg1[%get3A_5, %get3A_6, %get3A_7] : memref<1x1x256xi32, #tpu.memory_space<vmem>>, vector<1x1x256xi32>
    %get3A_9 = vector.shape_cast %get3A_8 : vector<1x1x256xi32> to vector<256xi32>
    %iota3A_10 = tpu.iota {dimensions = array<i32: 1>} : vector<256x64xi32>
    %broadcast_in_dim3A = vector.shape_cast %get3A_9 : vector<256xi32> to vector<256x1xi32>
    %eq3A = vector.broadcast %broadcast_in_dim3A : vector<256x1xi32> to vector<256x64xi32>
    %eq3A_11 = arith.cmpi eq, %iota3A_10, %eq3A : vector<256x64xi32>
    %convert_element_type3A_12 = arith.extui %eq3A_11 : vector<256x64xi1> to vector<256x64xi32>
    %convert_element_type3A_13 = arith.sitofp %convert_element_type3A_12 : vector<256x64xi32> to vector<256x64xf32>
    %mul3A = vector.broadcast %dot_general3A_4 : vector<1x64xf32> to vector<256x64xf32>
    %mul3A_14 = arith.mulf %convert_element_type3A_13, %mul3A : vector<256x64xf32>
    %reduce_sum3A = arith.constant dense<0.000000e+00> : vector<256xf32>
    %reduce_sum3A_15 = vector.multi_reduction <add>, %mul3A_14, %reduce_sum3A [1] : vector<256x64xf32> to vector<256xf32>
    %get3A_16 = arith.constant 0 : index
    %get3A_17 = arith.constant 0 : index
    %get3A_18 = arith.constant 0 : index
    %get3A_19 = vector.load %arg2[%get3A_16, %get3A_17, %get3A_18] : memref<1x1x256xi32, #tpu.memory_space<vmem>>, vector<1x1x256xi32>
    %get3A_20 = vector.shape_cast %get3A_19 : vector<1x1x256xi32> to vector<256xi32>
    %convert_element_type3A_21 = arith.sitofp %get3A_20 : vector<256xi32> to vector<256xf32>
    %add3A = arith.addf %reduce_sum3A_15, %convert_element_type3A_21 : vector<256xf32>
    %convert_element_type3A_22 = arith.fptosi %add3A : vector<256xf32> to vector<256xi32>
    %reshape3A = vector.shape_cast %convert_element_type3A_22 : vector<256xi32> to vector<1x1x256xi32>
    %swap3A = arith.constant 0 : index
    %swap3A_23 = arith.constant 0 : index
    %swap3A_24 = arith.constant 0 : index
    %swap3A_25 = vector.load %arg4[%swap3A, %swap3A_23, %swap3A_24] : memref<1x1x256xi32, #tpu.memory_space<vmem>>, vector<1x1x256xi32>
    tpu.vector_store %arg4[%swap3A, %swap3A_23, %swap3A_24], %reshape3A {strides = array<i32>} : memref<1x1x256xi32, #tpu.memory_space<vmem>>, vector<1x1x256xi32>,
    return
  }
  func.func @transform_0(%arg0: i32) -> (i32, i32, i32) {
    %c0_i32 = arith.constant 0 : i32
    %c0_i32_0 = arith.constant 0 : i32
    %c0_i32_1 = arith.constant 0 : i32
    return %arg0, %c0_i32, %c0_i32_0 : i32, i32, i32
  }
  func.func @transform_1(%arg0: i32) -> (i32, i32, i32) {
    %c0_i32 = arith.constant 0 : i32
    %c0_i32_0 = arith.constant 0 : i32
    %c0_i32_1 = arith.constant 0 : i32
    return %arg0, %c0_i32, %c0_i32_0 : i32, i32, i32
  }
  func.func @transform_2(%arg0: i32) -> (i32, i32) {
    %c0_i32 = arith.constant 0 : i32
    %c0_i32_0 = arith.constant 0 : i32
    %c0_i32_1 = arith.constant 0 : i32
    return %c0_i32, %c0_i32_0 : i32, i32
  }
  func.func @transform_3(%arg0: i32) -> (i32, i32, i32) {
    %c0_i32 = arith.constant 0 : i32
    %c0_i32_0 = arith.constant 0 : i32
    %c0_i32_1 = arith.constant 0 : i32
    return %arg0, %c0_i32, %c0_i32_0 : i32, i32, i32
  }
}

module attributes {stable_mosaic.version = 14 : i64} {
  func.func @_ffn_body(%arg0: i32, %arg1: memref<95xi32, #tpu.memory_space<smem>>, %arg2: memref<95xi32, #tpu.memory_space<smem>>, %arg3: memref<95xi32, #tpu.memory_space<smem>>, %arg4: memref<65xi32, #tpu.memory_space<smem>>, %arg5: memref<256x768xf32, #tpu.memory_space<vmem>>, %arg6: memref<1x256x768xf32, #tpu.memory_space<vmem>>, %arg7: memref<1x1x256xf32, #tpu.memory_space<vmem>>, %arg8: memref<1x768x256xf32, #tpu.memory_space<vmem>>, %arg9: memref<1x1x768xf32, #tpu.memory_space<vmem>>, %arg10: memref<256x768xf32, #tpu.memory_space<vmem>>) attributes {dimension_semantics = [#tpu.dimension_semantics<arbitrary>], iteration_bounds = array<i64: 95>, scalar_prefetch = 4 : i64, scratch_operands = 0 : i64, tpu.core_type = #tpu.core_type<tc>, window_params = [{transform_indices = @transform_0, window_bounds = array<i64: 256, 768>}, {transform_indices = @transform_1, window_bounds = array<i64: 1, 256, 768>}, {transform_indices = @transform_2, window_bounds = array<i64: 1, 1, 256>}, {transform_indices = @transform_3, window_bounds = array<i64: 1, 768, 256>}, {transform_indices = @transform_4, window_bounds = array<i64: 1, 1, 768>}, {transform_indices = @transform_5, window_bounds = array<i64: 256, 768>}]} {
    %get3A = arith.index_cast %arg0 : i32 to index
    %get3A_0 = memref.load %arg1[%get3A] : memref<95xi32, #tpu.memory_space<smem>>
    %eq3A = arith.constant 0 : i32
    %eq3A_1 = arith.cmpi eq, %arg0, %eq3A : i32
    %sub3A = arith.constant 1 : i32
    %sub3A_2 = arith.subi %arg0, %sub3A : i32
    %max3A = arith.constant 0 : i32
    %max3A_3 = arith.maxsi %sub3A_2, %max3A : i32
    %get3A_4 = arith.index_cast %max3A_3 : i32 to index
    %get3A_5 = memref.load %arg1[%get3A_4] : memref<95xi32, #tpu.memory_space<smem>>
    %jit3A = arith.constant -1 : i32
    %select_n3A = arith.select %eq3A_1, %jit3A, %get3A_5 : i32
    %ne3A = arith.cmpi ne, %get3A_0, %select_n3A : i32
    %get3A_6 = arith.index_cast %arg0 : i32 to index
    %get3A_7 = memref.load %arg2[%get3A_6] : memref<95xi32, #tpu.memory_space<smem>>
    %get3A_8 = arith.index_cast %get3A_7 : i32 to index
    %get3A_9 = memref.load %arg4[%get3A_8] : memref<65xi32, #tpu.memory_space<smem>>
    %add3A = arith.constant 1 : i32
    %add3A_10 = arith.addi %get3A_7, %add3A : i32
    %get3A_11 = arith.index_cast %add3A_10 : i32 to index
    %get3A_12 = memref.load %arg4[%get3A_11] : memref<65xi32, #tpu.memory_space<smem>>
    %mul3A = arith.constant 256 : i32
    %mul3A_13 = arith.muli %get3A_0, %mul3A : i32
    %iota3A = tpu.iota {dimensions = array<i32: 0>} : vector<256x1xi32>
    %add3A_14 = vector.broadcast %mul3A_13 : i32 to vector<256x1xi32>
    %add3A_15 = arith.addi %add3A_14, %iota3A : vector<256x1xi32>
    %ge3A = vector.broadcast %get3A_9 : i32 to vector<256x1xi32>
    %ge3A_16 = arith.cmpi sge, %add3A_15, %ge3A : vector<256x1xi32>
    %lt3A = vector.broadcast %get3A_12 : i32 to vector<256x1xi32>
    %lt3A_17 = arith.cmpi slt, %add3A_15, %lt3A : vector<256x1xi32>
    %and3A = arith.andi %ge3A_16, %lt3A_17 : vector<256x1xi1>
    %get3A_18 = arith.index_cast %arg0 : i32 to index
    %get3A_19 = memref.load %arg3[%get3A_18] : memref<95xi32, #tpu.memory_space<smem>>
    %gt3A = arith.constant 0 : i32
    %gt3A_20 = arith.cmpi sgt, %get3A_19, %gt3A : i32
    %convert_element_type3A = arith.extui %gt3A_20 : i1 to i32
    %cond3A = arith.constant 0 : i32
    %cond3A_21 = arith.cmpi ne, %convert_element_type3A, %cond3A : i32
    scf.if %cond3A_21 {
      %get3A_22 = arith.constant 0 : index
      %get3A_23 = arith.constant 0 : index
      %get3A_24 = vector.load %arg5[%get3A_22, %get3A_23] : memref<256x768xf32, #tpu.memory_space<vmem>>, vector<256x768xf32>
      %convert_element_type3A_25 = arith.truncf %get3A_24 : vector<256x768xf32> to vector<256x768xbf16>
      %get3A_26 = arith.constant 0 : index
      %get3A_27 = arith.constant 0 : index
      %get3A_28 = arith.constant 0 : index
      %get3A_29 = vector.load %arg6[%get3A_26, %get3A_27, %get3A_28] : memref<1x256x768xf32, #tpu.memory_space<vmem>>, vector<1x256x768xf32>
      %get3A_30 = vector.shape_cast %get3A_29 : vector<1x256x768xf32> to vector<256x768xf32>
      %convert_element_type3A_31 = arith.truncf %get3A_30 : vector<256x768xf32> to vector<256x768xbf16>
      %dot_general3A = arith.constant dense<0.000000e+00> : vector<256x256xf32>
      %dot_general3A_32 = tpu.matmul %convert_element_type3A_25, %convert_element_type3A_31, %dot_general3A {dimension_numbers = #tpu.dot_dimension_numbers<[1], [1], [0], [0], [0, 0, 1, 0], [], []>, transpose_lhs_hint = false} : vector<256x768xbf16>, vector<256x768xbf16>, vector<256x256xf32> -> vector<256x256xf32>
      %get3A_33 = arith.constant 0 : index
      %get3A_34 = arith.constant 0 : index
      %get3A_35 = arith.constant 0 : index
      %get3A_36 = vector.load %arg7[%get3A_33, %get3A_34, %get3A_35] : memref<1x1x256xf32, #tpu.memory_space<vmem>>, vector<1x1x256xf32>
      %get3A_37 = vector.shape_cast %get3A_36 : vector<1x1x256xf32> to vector<1x256xf32>
      %add3A_38 = vector.broadcast %get3A_37 : vector<1x256xf32> to vector<256x256xf32>
      %add3A_39 = arith.addf %dot_general3A_32, %add3A_38 : vector<256x256xf32>
      %mul3A_40 = arith.constant 5.000000e-01 : f32
      %mul3A_41 = vector.broadcast %mul3A_40 : f32 to vector<256x256xf32>
      %mul3A_42 = arith.mulf %mul3A_41, %add3A_39 : vector<256x256xf32>
      %mul3A_43 = arith.constant 0.707106769 : f32
      %mul3A_44 = vector.broadcast %mul3A_43 : f32 to vector<256x256xf32>
      %mul3A_45 = arith.mulf %add3A_39, %mul3A_44 : vector<256x256xf32>
      %erf3A = math.erf %mul3A_45 : vector<256x256xf32>
      %add3A_46 = arith.constant 1.000000e+00 : f32
      %add3A_47 = vector.broadcast %add3A_46 : f32 to vector<256x256xf32>
      %add3A_48 = arith.addf %add3A_47, %erf3A : vector<256x256xf32>
      %mul3A_49 = arith.mulf %mul3A_42, %add3A_48 : vector<256x256xf32>
      %convert_element_type3A_50 = arith.truncf %mul3A_49 : vector<256x256xf32> to vector<256x256xbf16>
      %get3A_51 = arith.constant 0 : index
      %get3A_52 = arith.constant 0 : index
      %get3A_53 = arith.constant 0 : index
      %get3A_54 = vector.load %arg8[%get3A_51, %get3A_52, %get3A_53] : memref<1x768x256xf32, #tpu.memory_space<vmem>>, vector<1x768x256xf32>
      %get3A_55 = vector.shape_cast %get3A_54 : vector<1x768x256xf32> to vector<768x256xf32>
      %convert_element_type3A_56 = arith.truncf %get3A_55 : vector<768x256xf32> to vector<768x256xbf16>
      %dot_general3A_57 = arith.constant dense<0.000000e+00> : vector<256x768xf32>
      %dot_general3A_58 = tpu.matmul %convert_element_type3A_50, %convert_element_type3A_56, %dot_general3A_57 {dimension_numbers = #tpu.dot_dimension_numbers<[1], [1], [0], [0], [0, 0, 1, 0], [], []>, transpose_lhs_hint = false} : vector<256x256xbf16>, vector<768x256xbf16>, vector<256x768xf32> -> vector<256x768xf32>
      %get3A_59 = arith.constant 0 : index
      %get3A_60 = arith.constant 0 : index
      %get3A_61 = arith.constant 0 : index
      %get3A_62 = vector.load %arg9[%get3A_59, %get3A_60, %get3A_61] : memref<1x1x768xf32, #tpu.memory_space<vmem>>, vector<1x1x768xf32>
      %get3A_63 = vector.shape_cast %get3A_62 : vector<1x1x768xf32> to vector<1x768xf32>
      %add3A_64 = vector.broadcast %get3A_63 : vector<1x768xf32> to vector<256x768xf32>
      %add3A_65 = arith.addf %dot_general3A_58, %add3A_64 : vector<256x768xf32>
      %jit3A_66 = arith.constant 0.000000e+00 : f32
      %broadcast_in_dim3A = vector.shape_cast %and3A : vector<256x1xi1> to vector<256x1xi1>
      %broadcast_in_dim3A_67 = vector.broadcast %broadcast_in_dim3A : vector<256x1xi1> to vector<256x768xi1>
      %broadcast_in_dim3A_68 = vector.broadcast %jit3A_66 : f32 to vector<256x768xf32>
      %select_n3A_69 = arith.select %broadcast_in_dim3A_67, %add3A_65, %broadcast_in_dim3A_68 : vector<256x768xi1>, vector<256x768xf32>
      %convert_element_type3A_70 = arith.extui %ne3A : i1 to i32
      %cond3A_71 = arith.constant 0 : i32
      %cond3A_72 = arith.cmpi ne, %convert_element_type3A_70, %cond3A_71 : i32
      scf.if %cond3A_72 {
        %swap3A = arith.constant 0 : index
        %swap3A_77 = arith.constant 0 : index
        %swap3A_78 = vector.load %arg10[%swap3A, %swap3A_77] : memref<256x768xf32, #tpu.memory_space<vmem>>, vector<256x768xf32>
        tpu.vector_store %arg10[%swap3A, %swap3A_77], %select_n3A_69 {strides = array<i32>} : memref<256x768xf32, #tpu.memory_space<vmem>>, vector<256x768xf32>,
      } else {
      }
      %not3A = arith.constant true
      %not3A_73 = arith.xori %ne3A, %not3A : i1
      %convert_element_type3A_74 = arith.extui %not3A_73 : i1 to i32
      %cond3A_75 = arith.constant 0 : i32
      %cond3A_76 = arith.cmpi ne, %convert_element_type3A_74, %cond3A_75 : i32
      scf.if %cond3A_76 {
        %get3A_77 = arith.constant 0 : index
        %get3A_78 = arith.constant 0 : index
        %get3A_79 = vector.load %arg10[%get3A_77, %get3A_78] : memref<256x768xf32, #tpu.memory_space<vmem>>, vector<256x768xf32>
        %add3A_80 = arith.addf %get3A_79, %select_n3A_69 : vector<256x768xf32>
        %swap3A = arith.constant 0 : index
        %swap3A_81 = arith.constant 0 : index
        %swap3A_82 = vector.load %arg10[%swap3A, %swap3A_81] : memref<256x768xf32, #tpu.memory_space<vmem>>, vector<256x768xf32>
        tpu.vector_store %arg10[%swap3A, %swap3A_81], %add3A_80 {strides = array<i32>} : memref<256x768xf32, #tpu.memory_space<vmem>>, vector<256x768xf32>,
      } else {
      }
    } else {
    }
    return
  }
  func.func @transform_0(%arg0: i32, %arg1: memref<95xi32, #tpu.memory_space<smem>>, %arg2: memref<95xi32, #tpu.memory_space<smem>>, %arg3: memref<95xi32, #tpu.memory_space<smem>>, %arg4: memref<65xi32, #tpu.memory_space<smem>>) -> (i32, i32) {
    %get3A = arith.index_cast %arg0 : i32 to index
    %get3A_0 = memref.load %arg1[%get3A] : memref<95xi32, #tpu.memory_space<smem>>
    %c0_i32 = arith.constant 0 : i32
    %c0_i32_1 = arith.constant 0 : i32
    return %get3A_0, %c0_i32 : i32, i32
  }
  func.func @transform_1(%arg0: i32, %arg1: memref<95xi32, #tpu.memory_space<smem>>, %arg2: memref<95xi32, #tpu.memory_space<smem>>, %arg3: memref<95xi32, #tpu.memory_space<smem>>, %arg4: memref<65xi32, #tpu.memory_space<smem>>) -> (i32, i32, i32) {
    %get3A = arith.index_cast %arg0 : i32 to index
    %get3A_0 = memref.load %arg2[%get3A] : memref<95xi32, #tpu.memory_space<smem>>
    %c0_i32 = arith.constant 0 : i32
    %c0_i32_1 = arith.constant 0 : i32
    %c0_i32_2 = arith.constant 0 : i32
    return %get3A_0, %c0_i32, %c0_i32_1 : i32, i32, i32
  }
  func.func @transform_2(%arg0: i32, %arg1: memref<95xi32, #tpu.memory_space<smem>>, %arg2: memref<95xi32, #tpu.memory_space<smem>>, %arg3: memref<95xi32, #tpu.memory_space<smem>>, %arg4: memref<65xi32, #tpu.memory_space<smem>>) -> (i32, i32, i32) {
    %get3A = arith.index_cast %arg0 : i32 to index
    %get3A_0 = memref.load %arg2[%get3A] : memref<95xi32, #tpu.memory_space<smem>>
    %c0_i32 = arith.constant 0 : i32
    %c0_i32_1 = arith.constant 0 : i32
    %c0_i32_2 = arith.constant 0 : i32
    return %get3A_0, %c0_i32, %c0_i32_1 : i32, i32, i32
  }
  func.func @transform_3(%arg0: i32, %arg1: memref<95xi32, #tpu.memory_space<smem>>, %arg2: memref<95xi32, #tpu.memory_space<smem>>, %arg3: memref<95xi32, #tpu.memory_space<smem>>, %arg4: memref<65xi32, #tpu.memory_space<smem>>) -> (i32, i32, i32) {
    %get3A = arith.index_cast %arg0 : i32 to index
    %get3A_0 = memref.load %arg2[%get3A] : memref<95xi32, #tpu.memory_space<smem>>
    %c0_i32 = arith.constant 0 : i32
    %c0_i32_1 = arith.constant 0 : i32
    %c0_i32_2 = arith.constant 0 : i32
    return %get3A_0, %c0_i32, %c0_i32_1 : i32, i32, i32
  }
  func.func @transform_4(%arg0: i32, %arg1: memref<95xi32, #tpu.memory_space<smem>>, %arg2: memref<95xi32, #tpu.memory_space<smem>>, %arg3: memref<95xi32, #tpu.memory_space<smem>>, %arg4: memref<65xi32, #tpu.memory_space<smem>>) -> (i32, i32, i32) {
    %get3A = arith.index_cast %arg0 : i32 to index
    %get3A_0 = memref.load %arg2[%get3A] : memref<95xi32, #tpu.memory_space<smem>>
    %c0_i32 = arith.constant 0 : i32
    %c0_i32_1 = arith.constant 0 : i32
    %c0_i32_2 = arith.constant 0 : i32
    return %get3A_0, %c0_i32, %c0_i32_1 : i32, i32, i32
  }
  func.func @transform_5(%arg0: i32, %arg1: memref<95xi32, #tpu.memory_space<smem>>, %arg2: memref<95xi32, #tpu.memory_space<smem>>, %arg3: memref<95xi32, #tpu.memory_space<smem>>, %arg4: memref<65xi32, #tpu.memory_space<smem>>) -> (i32, i32) {
    %get3A = arith.index_cast %arg0 : i32 to index
    %get3A_0 = memref.load %arg1[%get3A] : memref<95xi32, #tpu.memory_space<smem>>
    %c0_i32 = arith.constant 0 : i32
    %c0_i32_1 = arith.constant 0 : i32
    return %get3A_0, %c0_i32 : i32, i32
  }
}

</mosaic_0001>

<sc_bundles>
// kernel: kernel.10.cloned.1.call-start
scs
__scs_entry_jumppad:
0x0: {  	(pc) =	sbr.rel $0x88, $3  }
0x1: {  	(tag) =	ssettag $0x0;
	lr =	simm.s32 $0x1  }
0x2: {  	[smem:$0x3F9B] =	sst lr;
	_ =	strace $0xD0000000  }
0x3: {  	_ = 	snop  }
0x4: {  	_ = 	snop  }
0x5: {  	_ = 	snop  }
0x6: {  	_ = 	snop  }
0x7: {  	_ = 	snop  }
__scs_overlays_trampoline_lowered:
0x8: {  	[smem:$0x3FAA] =	sst s0  }
0x9: {  	[smem:$0x3FAB] =	sst s1  }
0xa: {  	[smem:$0x3FAC] =	sst s2  }
0xb: {  	[smem:$0x3FAD] =	sst s3  }
0xc: {  	[smem:$0x3FAE] =	sst s4  }
0xd: {  	[smem:$0x3FAF] =	sst s5  }
0xe: {  	[smem:$0x3FB0] =	sst s6  }
0xf: {  	[smem:$0x3FB1] =	sst s7  }
0x10: {  	[smem:$0x3FB2] =	sst s8  }
0x11: {  	[smem:$0x3FB3] =	sst s9;
	s0 =	simm.s32 @!p0 $0x0  }
0x12: {  	s1 =	sld [smem:$0x3F99];
	s0 =	simm.s32 @p0 $0x1  }
0x13: {  	[smem:$0x3FB4] =	sst s0;
	s0 =	simm.s32 @!p1 $0x0  }
0x14: {  	s2 =	sld [smem:$0x3F98];
	s0 =	simm.s32 @p1 $0x1  }
0x15: {  	[smem:$0x3FB5] =	sst s0;
	s0 =	simm.s32 @!p2 $0x0  }
0x16: {  	s3 =	sld [smem:$0x3FDB];
	s0 =	simm.s32 @p2 $0x1  }
0x17: {  	s4 =	simm.s32 $0x1BF5;
	[smem:$0x3FB7] =	sst s0  }
0x18: {  	s0 =	sld [smem:$0x3F9A];
	_ =	swait.ge [sflag:s4], $0x0  }
0x19: {  	s7 =	sld [smem:$0x3F9B]  }
0x1a: {  	s8 =	sadd.s32 $0xFFFFE003, lr  }
0x1b: {  	s9 =	sadd.s32 $0xFFFFFEF7, lr;
	s5 =	simm.s32 $0xFFFFFFFF;
	p2 =	slt.u32 s8, $0xFFFFF086  }
0x1c: {  	p1 =	slt.u32 s9, $0xF7A;
	s5 =	simm.s32 @!p2 $0x0  }
0x1d: {  	s5 =	simm.s32 @p1 $0x1;
	p0 =	seq.s32 s7, s2  }
0x1e: {  	s7 =	smul.u32 @!p0 $0xF7A, s2;
	p2 =	seq.s32 @!p0 s5, $0x0  }
0x1f: {  	s9 =	smul.u32 $0xF7A, s1;
	s8 =	simm.s32 @!p0 $0x1BF5;
	p2 =	por !p2, p0  }
0x20: {  	[sflag:s8] =	ssyncset.s32 @!p0 $0xFFFFF086;
	s6 =	sadd.s32 @!p0 s3, s7;
	s7 =	simm.s32 @!p0 $0x108  }
0x21: {  	s3 =	sadd.s32 s3, s9;
	s6 =	sadd.s32 @!p0 $0x88, s6;
	s7 =	simm.s32 @p2 $0x1082  }
0x22: {  	[simem:s7], [sflag:s8] =	dma.local @!p0 [hbm:s6], $0xF7A  }
0x23: {  	s9 =	sor.u32 $0xD0000000, s2;
	s6 =	simm.s32 $0x108;
	_ =	swait.ge @!p0 [sflag:s8], $0x0  }
0x24: {  	s3 =	sadd.s32 $0x88, s3;
	s6 =	simm.s32 @!p1 $0x1082;
	[sflag:s4] =	ssyncset.s32 $0xFFFFF086  }
0x25: {  	[simem:s6], [sflag:s4] =	dma.local [hbm:s3], $0xF7A  }
0x26: {  	[smem:$0x3F9B] =	sst s1;
	(tag) =	ssettag s2;
	_ =	strace s9  }
0x27: {  	s1 =	sld [smem:$0x3FAB]  }
0x28: {  	s2 =	sld [smem:$0x3FAC]  }
0x29: {  	s4 =	sld [smem:$0x3FAE]  }
0x2a: {  	p0 =	seq.s32 s5, $0x0;
	s5 =	sld [smem:$0x3FAF]  }
0x2b: {  	s6 =	sld [smem:$0x3FB0]  }
0x2c: {  	s7 =	sld [smem:$0x3FB1]  }
0x2d: {  	s3 =	simm.s32 $0x108;
	s8 =	sld [smem:$0x3FB2]  }
0x2e: {  	s3 =	simm.s32 @!p0 $0x1082;
	s9 =	sld [smem:$0x3FB3]  }
0x2f: {  	lr =	sadd.s32 s0, s3;
	s0 =	sld [smem:$0x3FAA]  }
0x30: {  	s3 =	sld [smem:$0x3FAD]  }
0x31: {  	[smem:$0x3FB6] =	sst s10  }
0x32: {  	s10 =	sld [smem:$0x3FB4];
	_ =	sdelay $0x3  }
0x33: {  	p0 =	seq.s32 s10, $0x1;
	s10 =	sld [smem:$0x3FB6];
	_ =	sdelay $0x3  }
0x34: {  	[smem:$0x3FB6] =	sst s10  }
0x35: {  	s10 =	sld [smem:$0x3FB5];
	_ =	sdelay $0x3  }
0x36: {  	p1 =	seq.s32 s10, $0x1;
	s10 =	sld [smem:$0x3FB6];
	_ =	sdelay $0x3  }
0x37: {  	[smem:$0x3FB6] =	sst s10  }
0x38: {  	s10 =	sld [smem:$0x3FB7]  }
0x39: {  	_ = 	snop;
	(pc) =	sbr.ind lr, $3  }
0x3a: {  	_ = 	snop  }
0x3b: {  	_ = 	snop  }
0x3c: {  	p2 =	seq.s32 s10, $0x1;
	s10 =	sld [smem:$0x3FB6]  }
0x3d: {  	_ =	shalt  }
0x3e: {  	_ =	shalt  }
0x3f: {  	_ =	shalt  }
0x40: {  	_ =	shalt  }
0x41: {  	_ =	shalt  }
0x42: {  	_ =	shalt  }
0x43: {  	_ =	shalt  }
0x44: {  	_ =	shalt  }
0x45: {  	_ =	shalt  }
0x46: {  	_ =	shalt  }
0x47: {  	_ =	shalt  }
0x48: {  	_ =	shalt  }
0x49: {  	_ =	shalt  }
0x4a: {  	_ =	shalt  }
0x4b: {  	_ =	shalt  }
0x4c: {  	_ =	shalt  }
0x4d: {  	_ =	shalt  }
0x4e: {  	_ =	shalt  }
0x4f: {  	_ =	shalt  }
0x50: {  	_ =	shalt  }
0x51: {  	_ =	shalt  }
0x52: {  	_ =	shalt  }
0x53: {  	_ =	shalt  }
0x54: {  	_ =	shalt  }
0x55: {  	_ =	shalt  }
0x56: {  	_ =	shalt  }
0x57: {  	_ =	shalt  }
0x58: {  	_ =	shalt  }
0x59: {  	_ =	shalt  }
0x5a: {  	_ =	shalt  }
0x5b: {  	_ =	shalt  }
0x5c: {  	_ =	shalt  }
0x5d: {  	_ =	shalt  }
0x5e: {  	_ =	shalt  }
0x5f: {  	_ =	shalt  }
0x60: {  	_ =	shalt  }
0x61: {  	_ =	shalt  }
0x62: {  	_ =	shalt  }
0x63: {  	_ =	shalt  }
0x64: {  	_ =	shalt  }
0x65: {  	_ =	shalt  }
0x66: {  	_ =	shalt  }
0x67: {  	_ =	shalt  }
0x68: {  	_ =	shalt  }
0x69: {  	_ =	shalt  }
0x6a: {  	_ =	shalt  }
0x6b: {  	_ =	shalt  }
0x6c: {  	_ =	shalt  }
0x6d: {  	_ =	shalt  }
0x6e: {  	_ =	shalt  }
0x6f: {  	_ =	shalt  }
0x70: {  	_ =	shalt  }
0x71: {  	_ =	shalt  }
0x72: {  	_ =	shalt  }
0x73: {  	_ =	shalt  }
0x74: {  	_ =	shalt  }
0x75: {  	_ =	shalt  }
0x76: {  	_ =	shalt  }
0x77: {  	_ =	shalt  }
0x78: {  	_ =	shalt  }
0x79: {  	_ =	shalt  }
0x7a: {  	_ =	shalt  }
0x7b: {  	_ =	shalt  }
0x7c: {  	_ =	shalt  }
0x7d: {  	_ =	shalt  }
0x7e: {  	_ =	shalt  }
0x7f: {  	_ =	shalt  }
0x80: {  	_ =	shalt  }
0x81: {  	_ =	shalt  }
0x82: {  	_ =	shalt  }
0x83: {  	_ =	shalt  }
0x84: {  	_ =	shalt  }
0x85: {  	_ =	shalt  }
0x86: {  	_ =	shalt  }
0x87: {  	_ =	shalt  }
.Lfunc_end0:
.L_simem_size_0:
called_computation.1_lowered:
.L_overlay_start_0:
0x88: {  	s2 =	sld [smem:$0x3FD9]  }
0x89: {  	s3 =	sld [smem:$0x3FFE];
	_ =	sdelay $0x1  }
0x8a: {  	s1 =	srdreg.scid  }
0x8b: {  	s0 =	sand.u32 $0x1, s1  }
0x8c: {  	s17 =	sshll.u32 s0, $0xA;
	s2 =	sadd.s32 s3, s2  }
0x8d: {  	s2 =	sadd.s32 s2, s17  }
0x8e: {  	[smem:$0x3FC2] =	sst s2  }
0x8f: {  	_ = 	snop  }
0x90: {  	s2 =	sld [smem:$0x3FD0];
	(tm) =	ssettm $0x1  }
0x91: {  	s18 =	sld [smem:$0x3FFB];
	_ =	sdelay $0x3  }
0x92: {  	_ =	strace s18  }
0x93: {  	s3 =	sld [smem:$0x3FFC];
	_ =	sdelay $0x3  }
0x94: {  	_ =	strace s3  }
0x95: {  	s3 =	sld [smem:$0x3FFD];
	_ =	sdelay $0x3  }
0x96: {  	_ =	strace s3  }
0x97: {  	_ =	strace $0x8FFFFFFF  }
0x98: {  	s19 =	sld [smem:$0x3FDB];
	_ =	sdelay $0x1  }
0x99: {  	s4 =	simm.s32 $_scs_section_size  }
0x9a: {  	s5 =	simm.s32 $_size__tile_overlayer_lowered;
	s6 =	simm.s32 $_tile_overlayer_lowered  }
0x9b: {  	s22 =	simm.s32 $0x1BFF;
	s21 =	sshll.u32 s6, $0x1;
	s3 =	sadd.s32 s4, s19  }
0x9c: {  	s7 =	simm.s32 $0x0;
	s20 =	sshll.u32 s5, $0x1;
	s5 =	sadd.s32 s21, s3  }
0x9d: {  	[timem:s7], [sflag:s22] =	dma.local [hbm:s5], s20  }
0x9e: {  	_ =	swait.ge [sflag:s22], s20  }
0x9f: {  	s4 =	ssub.s32 $0x0, s20;
	[sflag:s22] =	ssyncset.done $0x0  }
0xa0: {  	[sflag:s22] =	ssyncadd.s32 s4;
	_ =	sdelay $0x1  }
0xa1: {  	s23 =	simm.s32 $0x1B8B  }
0xa2: {  	_ =	swait.ge [sflag:s23], $0x1  }
0xa3: {  	[sflag:s23] =	ssyncset.done $0x0  }
0xa4: {  	s25 =	simm.s32 $0x1B8E;
	s24 =	sld [smem:$0x3FFE];
	[sflag:s23] =	ssyncadd.s32 $0xFFFFFFFF  }
0xa5: {  	s26 =	simm.s32 $execute0_lowered;
	[smem:$0x3FD2] =	sst s25  }
0xa6: {  	s5 =	sshll.u32 s26, $0x1;
	_ =	strace $0x80000049;
	[dreg:$0x1] =	wrdreg $0xFFFFFFFF  }
0xa7: {  	s28 =	simm.s32 $_size_execute0_lowered;
	s3 =	sadd.s32 s3, s5;
	[dreg:$0x0] =	wrdreg $0x0  }
0xa8: {  	s5 =	sshll.u32 s28, $0x1;
	[dreg:$0x2] =	wrdreg s3  }
0xa9: {  	[dreg:$0x3] =	wrdreg s5  }
0xaa: {  	[dreg:$0x4] =	wrdreg $0xC0  }
0xab: {  	_ =	task [dreg:s7], $0x5FFFF  }
0xac: {  	[dreg:$0x1] =	wrdreg $0xFFFFFFFF  }
0xad: {  	[dreg:$0x0] =	wrdreg $0x60  }
0xae: {  	[dreg:$0x2] =	wrdreg s24  }
0xaf: {  	[dreg:$0x3] =	wrdreg s2  }
0xb0: {  	[dreg:$0x4] =	wrdreg $0x9  }
0xb1: {  	_ =	task.clear_ibuf [dreg:s7], $0x5FFFF;
	_ =	strace $0x90000049  }
0xb2: {  	s29 =	simm.s32 $0x9;
	_ =	strace $0x8000004B  }
0xb3: {  	_ =	swait.ge [sflag:s29], $0x1  }
0xb4: {  	[sflag:s29] =	ssyncadd.s32 $0xFFFFFFFF  }
0xb5: {  	_ =	strace $0x9000004B  }
0xb6: {  	_ =	sfence  }
0xb7: {  	s30 =	sld [smem:$0x0];
	_ =	sdelay $0x2  }
0xb8: {  	s31 =	sshll.u32 s1, $0xD;
	s1 =	sshrl.u32 s1, $0x2  }
0xb9: {  	s3 =	sand.u32 $0x4000, s31;
	s1 =	sadd.s32 s1, s30  }
0xba: {  	s0 =	sor.u32 s3, s0;
	s1 =	sshll.u32 s1, $0x11  }
0xbb: {  	s0 =	sor.u32 s1, s0  }
0xbc: {  	s0 =	sadd.s32 $0x8F2B, s0  }
0xbd: {  	[sflag:s0] =	ssyncadd.remote.s32 $0x1  }
0xbe: {  	_ =	sfence.sel $0xFFFF  }
0xbf: {  	[dreg:$0x0] =	wrdreg $0xFFFFFFFF;
	(pc) =	sbr.abs _section_cstart, $3  }
0xc0: {  	[dreg:$0x1] =	wrdreg $0xFFFFFFFF  }
0xc1: {  	_ =	task.clear_ibuf [dreg:s7], $0x2FFFF;
	_ =	strace $0x9FFFFFFF  }
0xc2: {  	(tm) =	ssettm $0x7FFFFFFF  }
0xc3: {  	_ =	shalt  }
tec
execute0_lowered:
.L_overlay_start_1:
0x0: {  	(tag) =	ssettag $0x1  }
0x1: {  	s0 =	rddreg [dreg:$0x0]  }
0x2: {  	s2 =	rddreg [dreg:$0x1];
	s1 =	simm.s32 $0x0;
	s3 =	srdreg.scid  }
0x3: {  	s7 =	stileid.u32;
	s26 =	simm.s32 $0x80;
	s11 =	simm.s32 $0x1100  }
0x4: {  	s12 =	simm.s32 $0x1900;
	s13 =	simm.s32 $0x2100;
	s14 =	simm.s32 $0x2900  }
0x5: {  	s15 =	simm.s32 $0x3100;
	s16 =	simm.s32 $0x3900;
	s17 =	simm.s32 $0x4100  }
0x6: {  	s18 =	simm.s32 $0x4900;
	s19 =	simm.s32 $0x5100;
	s20 =	simm.s32 $0x5900  }
0x7: {  	s21 =	simm.s32 $0x6100;
	s28 =	simm.s32 $0x9100;
	s29 =	simm.s32 $0x9900  }
0x8: {  	s30 =	simm.s32 $0xA100;
	s31 =	simm.s32 $0xA900;
	[smem:$0x7FF] =	sst s1  }
0x9: {  	s4 =	sand.u32 $0x1, s3;
	s3 =	sadd.s32 $0x800, s0;
	s7 =	sshll.u32 s7, $0x6  }
0xa: {  	s8 =	sadd.s32 $0x400, s0;
	_ =	strace $0x8000004A;
	s5 =	ssub.s32 $0x2, s4  }
0xb: {  	s4 =	sshll.u32 s4, $0x5;
	[dreg:$0x7] =	wrdreg s26;
	s6 =	sshrl.u32 s5, $0x1  }
0xc: {  	s26 =	simm.s32 $0x8900;
	s4 =	sor.u32 s4, s7;
	s6 =	ssub.s32 s5, s6  }
0xd: {  	s22 =	sadd.s32 s8, s4;
	s7 =	sor.u32 $0x10, s4;
	s9 =	smul.u32 $0x300, s4  }
0xe: {  	s4 =	sadd.s32 $0x900, s0;
	s5 =	sadd.s32 $0xA00, s0;
	[dreg:$0x3] =	wrdreg s22  }
0xf: {  	s23 =	sadd.s32 s8, s7;
	s7 =	smul.u32 $0x300, s7;
	s6 =	smax.u32 s6, $0x1  }
0x10: {  	s22 =	simm.s32 $0x6900;
	[dreg:$0x4] =	wrdreg s23;
	s24 =	sadd.s32 s2, s9  }
0x11: {  	v2 =	vlaneseq.u32;
	s8 =	simm.s32 $0xB900;
	s23 =	simm.s32 $0x7100;
	[dreg:$0x5] =	wrdreg s24  }
0x12: {  	vm0 =	vmmov $0xffff;
	v1 =	vshrl.u32 v2, $0x3;
	s25 =	sadd.s32 s2, s7;
	s7 =	simm.s32 $0x2;
	s2 =	simm.s32 $0x1  }
0x13: {  	v0 =	vand.u32 $0x7, v2;
	v2 =	vor.u32 $0x8, v2;
	v1 =	vmul.u32 $0x8, v1;
	s24 =	simm.s32 $0x7900;
	[dreg:$0x6] =	wrdreg s25;
	s25 =	simm.s32 $0x8100  }
.LBB2_1:
0x14: {  	s9 =	rddreg [dreg:$0x3]  }
0x15: {  	[tilespmem:s1], [sflag:$0x2] =	stream.linear.gather [hbm4b:s9+s1], $0x80, $0x38;
	[tilespmem:$0x18100] =	vst v63  }
0x16: {  	_ =	swait.ge [sflag:s7], $0x80  }
0x17: {  	s0 =	rddreg [dreg:$0x4];
	[sflag:s7] =	ssyncset.done $0x0  }
0x18: {  	s10 =	rddreg [dreg:$0x7];
	[sflag:s7] =	ssyncadd.s32 $0xFFFFFF80  }
0x19: {  	[tilespmem:s10], [sflag:$0x2] =	stream.linear.gather [hbm4b:s0+s1], $0x80, $0x38;
	[tilespmem:$0x18100] =	vst v63  }
0x1a: {  	_ =	swait.ge [sflag:s7], $0x80  }
0x1b: {  	[sflag:s7] =	ssyncset.done $0x0  }
0x1c: {  	[sflag:s7] =	ssyncadd.s32 $0xFFFFFF80  }
0x1d: {  	v3 =	vld [tilespmem:$0x0];
	_ =	sdelay $0x4  }
0x1e: {  	v4 =	vshrl.u32 v3, $0x3  }
0x1f: {  	v4 =	vmul.u32 $0x30, v4  }
0x20: {  	v3 =	vand.u32 $0x7, v3  }
0x21: {  	v3 =	vor.u32 v3, v4  }
0x22: {  	v4 =	vperm.xlane v3, v0;
	_ =	sdelay $0x1  }
0x23: {  	v4 =	vadd.s32 v1, v4;
	_ =	sdelay $0x3  }
0x24: {  	s0 =	simm.s32 $0x100;
	v3 =	vperm.xlane v3, v2  }
0x25: {  	[tilespmem:s0], [sflag:$0x1] =	stream.indirect_vreg.gather [hbm4b:s3+s1], $0x80, v4, vm0, $0xb8;
	[tilespmem:$0x18100] =	vst v63  }
0x26: {  	s10 =	simm.s32 $0x900;
	v3 =	vadd.s32 v1, v3  }
0x27: {  	[tilespmem:s10], [sflag:$0x1] =	stream.indirect_vreg.gather [hbm4b:s4+s1], $0x80, v4, vm0, $0xb8;
	[tilespmem:$0x18100] =	vst v63  }
0x28: {  	_ = 	snop  }
0x29: {  	[tilespmem:s11], [sflag:$0x1] =	stream.indirect_vreg.gather [hbm4b:s5+s1], $0x80, v4, vm0, $0xb8;
	[tilespmem:$0x18100] =	vst v63  }
0x2a: {  	_ = 	snop  }
0x2b: {  	[tilespmem:s12], [sflag:$0x1] =	stream.indirect_vreg.gather [hbm4b:s3+s1], $0x80, v3, vm0, $0xb8;
	[tilespmem:$0x18100] =	vst v63  }
0x2c: {  	_ = 	snop  }
0x2d: {  	[tilespmem:s13], [sflag:$0x1] =	stream.indirect_vreg.gather [hbm4b:s4+s1], $0x80, v3, vm0, $0xb8;
	[tilespmem:$0x18100] =	vst v63  }
0x2e: {  	_ = 	snop  }
0x2f: {  	[tilespmem:s14], [sflag:$0x1] =	stream.indirect_vreg.gather [hbm4b:s5+s1], $0x80, v3, vm0, $0xb8;
	[tilespmem:$0x18100] =	vst v63  }
0x30: {  	v3 =	vld [tilespmem:$0x10];
	_ =	sdelay $0x4  }
0x31: {  	v49 =	vshrl.u32 v3, $0x3  }
0x32: {  	v4 =	vmul.u32 $0x30, v49  }
0x33: {  	v3 =	vand.u32 $0x7, v3  }
0x34: {  	v3 =	vor.u32 v3, v4  }
0x35: {  	v4 =	vperm.xlane v3, v0;
	_ =	sdelay $0x1  }
0x36: {  	v4 =	vadd.s32 v1, v4;
	_ =	sdelay $0x3  }
0x37: {  	v3 =	vperm.xlane v3, v2  }
0x38: {  	[tilespmem:s15], [sflag:$0x1] =	stream.indirect_vreg.gather [hbm4b:s3+s1], $0x80, v4, vm0, $0xb8;
	[tilespmem:$0x18100] =	vst v63  }
0x39: {  	v3 =	vadd.s32 v1, v3  }
0x3a: {  	[tilespmem:s16], [sflag:$0x1] =	stream.indirect_vreg.gather [hbm4b:s4+s1], $0x80, v4, vm0, $0xb8;
	[tilespmem:$0x18100] =	vst v63  }
0x3b: {  	_ = 	snop  }
0x3c: {  	[tilespmem:s17], [sflag:$0x1] =	stream.indirect_vreg.gather [hbm4b:s5+s1], $0x80, v4, vm0, $0xb8;
	[tilespmem:$0x18100] =	vst v63  }
0x3d: {  	_ = 	snop  }
0x3e: {  	[tilespmem:s18], [sflag:$0x1] =	stream.indirect_vreg.gather [hbm4b:s3+s1], $0x80, v3, vm0, $0xb8;
	[tilespmem:$0x18100] =	vst v63  }
0x3f: {  	_ = 	snop  }
0x40: {  	[tilespmem:s19], [sflag:$0x1] =	stream.indirect_vreg.gather [hbm4b:s4+s1], $0x80, v3, vm0, $0xb8;
	[tilespmem:$0x18100] =	vst v63  }
0x41: {  	_ = 	snop  }
0x42: {  	[tilespmem:s20], [sflag:$0x1] =	stream.indirect_vreg.gather [hbm4b:s5+s1], $0x80, v3, vm0, $0xb8;
	[tilespmem:$0x18100] =	vst v63  }
0x43: {  	v3 =	vld [tilespmem:$0x20];
	_ =	sdelay $0x4  }
0x44: {  	v50 =	vshrl.u32 v3, $0x3  }
0x45: {  	v4 =	vmul.u32 $0x30, v50  }
0x46: {  	v3 =	vand.u32 $0x7, v3  }
0x47: {  	v3 =	vor.u32 v3, v4  }
0x48: {  	v4 =	vperm.xlane v3, v0;
	_ =	sdelay $0x1  }
0x49: {  	v4 =	vadd.s32 v1, v4;
	_ =	sdelay $0x3  }
0x4a: {  	v3 =	vperm.xlane v3, v2  }
0x4b: {  	[tilespmem:s21], [sflag:$0x1] =	stream.indirect_vreg.gather [hbm4b:s3+s1], $0x80, v4, vm0, $0xb8;
	[tilespmem:$0x18100] =	vst v63  }
0x4c: {  	v3 =	vadd.s32 v1, v3  }
0x4d: {  	[tilespmem:s22], [sflag:$0x1] =	stream.indirect_vreg.gather [hbm4b:s4+s1], $0x80, v4, vm0, $0xb8;
	[tilespmem:$0x18100] =	vst v63  }
0x4e: {  	_ = 	snop  }
0x4f: {  	[tilespmem:s23], [sflag:$0x1] =	stream.indirect_vreg.gather [hbm4b:s5+s1], $0x80, v4, vm0, $0xb8;
	[tilespmem:$0x18100] =	vst v63  }
0x50: {  	_ = 	snop  }
0x51: {  	[tilespmem:s24], [sflag:$0x1] =	stream.indirect_vreg.gather [hbm4b:s3+s1], $0x80, v3, vm0, $0xb8;
	[tilespmem:$0x18100] =	vst v63  }
0x52: {  	_ = 	snop  }
0x53: {  	[tilespmem:s25], [sflag:$0x1] =	stream.indirect_vreg.gather [hbm4b:s4+s1], $0x80, v3, vm0, $0xb8;
	[tilespmem:$0x18100] =	vst v63  }
0x54: {  	_ = 	snop  }
0x55: {  	[tilespmem:s26], [sflag:$0x1] =	stream.indirect_vreg.gather [hbm4b:s5+s1], $0x80, v3, vm0, $0xb8;
	[tilespmem:$0x18100] =	vst v63  }
0x56: {  	v3 =	vld [tilespmem:$0x30];
	_ =	sdelay $0x4  }
0x57: {  	v51 =	vshrl.u32 v3, $0x3  }
0x58: {  	v4 =	vmul.u32 $0x30, v51  }
0x59: {  	v3 =	vand.u32 $0x7, v3  }
0x5a: {  	v3 =	vor.u32 v3, v4  }
0x5b: {  	v4 =	vperm.xlane v3, v0;
	_ =	sdelay $0x1  }
0x5c: {  	v4 =	vadd.s32 v1, v4;
	_ =	sdelay $0x3  }
0x5d: {  	v3 =	vperm.xlane v3, v2  }
0x5e: {  	[tilespmem:s28], [sflag:$0x1] =	stream.indirect_vreg.gather [hbm4b:s3+s1], $0x80, v4, vm0, $0xb8;
	[tilespmem:$0x18100] =	vst v63  }
0x5f: {  	v3 =	vadd.s32 v1, v3  }
0x60: {  	[tilespmem:s29], [sflag:$0x1] =	stream.indirect_vreg.gather [hbm4b:s4+s1], $0x80, v4, vm0, $0xb8;
	[tilespmem:$0x18100] =	vst v63  }
0x61: {  	_ = 	snop  }
0x62: {  	[tilespmem:s30], [sflag:$0x1] =	stream.indirect_vreg.gather [hbm4b:s5+s1], $0x80, v4, vm0, $0xb8;
	[tilespmem:$0x18100] =	vst v63  }
0x63: {  	_ = 	snop  }
0x64: {  	[tilespmem:s31], [sflag:$0x1] =	stream.indirect_vreg.gather [hbm4b:s3+s1], $0x80, v3, vm0, $0xb8;
	[tilespmem:$0x18100] =	vst v63  }
0x65: {  	s9 =	simm.s32 $0xB100  }
0x66: {  	[tilespmem:s9], [sflag:$0x1] =	stream.indirect_vreg.gather [hbm4b:s4+s1], $0x80, v3, vm0, $0xb8;
	[tilespmem:$0x18100] =	vst v63  }
0x67: {  	_ = 	snop  }
0x68: {  	[tilespmem:s8], [sflag:$0x1] =	stream.indirect_vreg.gather [hbm4b:s5+s1], $0x80, v3, vm0, $0xb8;
	[tilespmem:$0x18100] =	vst v63  }
0x69: {  	v3 =	vld [tilespmem:$0x40];
	_ =	sdelay $0x4  }
0x6a: {  	v52 =	vshrl.u32 v3, $0x3  }
0x6b: {  	v4 =	vmul.u32 $0x30, v52  }
0x6c: {  	v3 =	vand.u32 $0x7, v3  }
0x6d: {  	v3 =	vor.u32 v3, v4  }
0x6e: {  	v4 =	vperm.xlane v3, v0;
	_ =	sdelay $0x1  }
0x6f: {  	v4 =	vadd.s32 v1, v4;
	_ =	sdelay $0x3  }
0x70: {  	s9 =	simm.s32 $0xC100;
	v3 =	vperm.xlane v3, v2  }
0x71: {  	[tilespmem:s9], [sflag:$0x1] =	stream.indirect_vreg.gather [hbm4b:s3+s1], $0x80, v4, vm0, $0xb8;
	[tilespmem:$0x18100] =	vst v63  }
0x72: {  	v3 =	vadd.s32 v1, v3;
	s9 =	simm.s32 $0xC900  }
0x73: {  	[tilespmem:s9], [sflag:$0x1] =	stream.indirect_vreg.gather [hbm4b:s4+s1], $0x80, v4, vm0, $0xb8;
	[tilespmem:$0x18100] =	vst v63  }
0x74: {  	s9 =	simm.s32 $0xD100  }
0x75: {  	[tilespmem:s9], [sflag:$0x1] =	stream.indirect_vreg.gather [hbm4b:s5+s1], $0x80, v4, vm0, $0xb8;
	[tilespmem:$0x18100] =	vst v63  }
0x76: {  	s9 =	simm.s32 $0xD900  }
0x77: {  	[tilespmem:s9], [sflag:$0x1] =	stream.indirect_vreg.gather [hbm4b:s3+s1], $0x80, v3, vm0, $0xb8;
	[tilespmem:$0x18100] =	vst v63  }
0x78: {  	s9 =	simm.s32 $0xE100  }
0x79: {  	[tilespmem:s9], [sflag:$0x1] =	stream.indirect_vreg.gather [hbm4b:s4+s1], $0x80, v3, vm0, $0xb8;
	[tilespmem:$0x18100] =	vst v63  }
0x7a: {  	s9 =	simm.s32 $0xE900  }
0x7b: {  	[tilespmem:s9], [sflag:$0x1] =	stream.indirect_vreg.gather [hbm4b:s5+s1], $0x80, v3, vm0, $0xb8;
	[tilespmem:$0x18100] =	vst v63  }
0x7c: {  	v3 =	vld [tilespmem:$0x50];
	_ =	sdelay $0x4  }
0x7d: {  	v53 =	vshrl.u32 v3, $0x3  }
0x7e: {  	v4 =	vmul.u32 $0x30, v53  }
0x7f: {  	v3 =	vand.u32 $0x7, v3  }
0x80: {  	v3 =	vor.u32 v3, v4  }
0x81: {  	v4 =	vperm.xlane v3, v0;
	_ =	sdelay $0x1  }
0x82: {  	v4 =	vadd.s32 v1, v4;
	_ =	sdelay $0x3  }
0x83: {  	s9 =	simm.s32 $0xF100;
	v3 =	vperm.xlane v3, v2  }
0x84: {  	[tilespmem:s9], [sflag:$0x1] =	stream.indirect_vreg.gather [hbm4b:s3+s1], $0x80, v4, vm0, $0xb8;
	[tilespmem:$0x18100] =	vst v63  }
0x85: {  	v3 =	vadd.s32 v1, v3;
	s9 =	simm.s32 $0xF900  }
0x86: {  	[tilespmem:s9], [sflag:$0x1] =	stream.indirect_vreg.gather [hbm4b:s4+s1], $0x80, v4, vm0, $0xb8;
	[tilespmem:$0x18100] =	vst v63  }
0x87: {  	s9 =	simm.s32 $0x10100  }
0x88: {  	[tilespmem:s9], [sflag:$0x1] =	stream.indirect_vreg.gather [hbm4b:s5+s1], $0x80, v4, vm0, $0xb8;
	[tilespmem:$0x18100] =	vst v63  }
0x89: {  	s9 =	simm.s32 $0x10900  }
0x8a: {  	[tilespmem:s9], [sflag:$0x1] =	stream.indirect_vreg.gather [hbm4b:s3+s1], $0x80, v3, vm0, $0xb8;
	[tilespmem:$0x18100] =	vst v63  }
0x8b: {  	s9 =	simm.s32 $0x11100  }
0x8c: {  	[tilespmem:s9], [sflag:$0x1] =	stream.indirect_vreg.gather [hbm4b:s4+s1], $0x80, v3, vm0, $0xb8;
	[tilespmem:$0x18100] =	vst v63  }
0x8d: {  	s9 =	simm.s32 $0x11900  }
0x8e: {  	[tilespmem:s9], [sflag:$0x1] =	stream.indirect_vreg.gather [hbm4b:s5+s1], $0x80, v3, vm0, $0xb8;
	[tilespmem:$0x18100] =	vst v63  }
0x8f: {  	v3 =	vld [tilespmem:$0x60];
	_ =	sdelay $0x4  }
0x90: {  	v54 =	vshrl.u32 v3, $0x3  }
0x91: {  	v4 =	vmul.u32 $0x30, v54  }
0x92: {  	v3 =	vand.u32 $0x7, v3  }
0x93: {  	v3 =	vor.u32 v3, v4  }
0x94: {  	v4 =	vperm.xlane v3, v0;
	_ =	sdelay $0x1  }
0x95: {  	v4 =	vadd.s32 v1, v4;
	_ =	sdelay $0x3  }
0x96: {  	s9 =	simm.s32 $0x12100;
	v3 =	vperm.xlane v3, v2  }
0x97: {  	[tilespmem:s9], [sflag:$0x1] =	stream.indirect_vreg.gather [hbm4b:s3+s1], $0x80, v4, vm0, $0xb8;
	[tilespmem:$0x18100] =	vst v63  }
0x98: {  	v3 =	vadd.s32 v1, v3;
	s9 =	simm.s32 $0x12900  }
0x99: {  	[tilespmem:s9], [sflag:$0x1] =	stream.indirect_vreg.gather [hbm4b:s4+s1], $0x80, v4, vm0, $0xb8;
	[tilespmem:$0x18100] =	vst v63  }
0x9a: {  	s9 =	simm.s32 $0x13100  }
0x9b: {  	[tilespmem:s9], [sflag:$0x1] =	stream.indirect_vreg.gather [hbm4b:s5+s1], $0x80, v4, vm0, $0xb8;
	[tilespmem:$0x18100] =	vst v63  }
0x9c: {  	s9 =	simm.s32 $0x13900  }
0x9d: {  	[tilespmem:s9], [sflag:$0x1] =	stream.indirect_vreg.gather [hbm4b:s3+s1], $0x80, v3, vm0, $0xb8;
	[tilespmem:$0x18100] =	vst v63  }
0x9e: {  	s9 =	simm.s32 $0x14100  }
0x9f: {  	[tilespmem:s9], [sflag:$0x1] =	stream.indirect_vreg.gather [hbm4b:s4+s1], $0x80, v3, vm0, $0xb8;
	[tilespmem:$0x18100] =	vst v63  }
0xa0: {  	s9 =	simm.s32 $0x14900  }
0xa1: {  	[tilespmem:s9], [sflag:$0x1] =	stream.indirect_vreg.gather [hbm4b:s5+s1], $0x80, v3, vm0, $0xb8;
	[tilespmem:$0x18100] =	vst v63  }
0xa2: {  	v3 =	vld [tilespmem:$0x70];
	_ =	sdelay $0x4  }
0xa3: {  	v55 =	vshrl.u32 v3, $0x3  }
0xa4: {  	v4 =	vmul.u32 $0x30, v55  }
0xa5: {  	v3 =	vand.u32 $0x7, v3  }
0xa6: {  	v3 =	vor.u32 v3, v4  }
0xa7: {  	v4 =	vperm.xlane v3, v0;
	_ =	sdelay $0x1  }
0xa8: {  	v4 =	vadd.s32 v1, v4;
	_ =	sdelay $0x3  }
0xa9: {  	s9 =	simm.s32 $0x15100;
	v3 =	vperm.xlane v3, v2  }
0xaa: {  	[tilespmem:s9], [sflag:$0x1] =	stream.indirect_vreg.gather [hbm4b:s3+s1], $0x80, v4, vm0, $0xb8;
	[tilespmem:$0x18100] =	vst v63  }
0xab: {  	v3 =	vadd.s32 v1, v3;
	s9 =	simm.s32 $0x15900  }
0xac: {  	[tilespmem:s9], [sflag:$0x1] =	stream.indirect_vreg.gather [hbm4b:s4+s1], $0x80, v4, vm0, $0xb8;
	[tilespmem:$0x18100] =	vst v63  }
0xad: {  	s9 =	simm.s32 $0x16100  }
0xae: {  	[tilespmem:s9], [sflag:$0x1] =	stream.indirect_vreg.gather [hbm4b:s5+s1], $0x80, v4, vm0, $0xb8;
	[tilespmem:$0x18100] =	vst v63  }
0xaf: {  	s9 =	simm.s32 $0x16900  }
0xb0: {  	[tilespmem:s9], [sflag:$0x1] =	stream.indirect_vreg.gather [hbm4b:s3+s1], $0x80, v3, vm0, $0xb8;
	[tilespmem:$0x18100] =	vst v63  }
0xb1: {  	s9 =	simm.s32 $0x17100  }
0xb2: {  	[tilespmem:s9], [sflag:$0x1] =	stream.indirect_vreg.gather [hbm4b:s4+s1], $0x80, v3, vm0, $0xb8;
	[tilespmem:$0x18100] =	vst v63  }
0xb3: {  	s9 =	simm.s32 $0x17900  }
0xb4: {  	[tilespmem:s9], [sflag:$0x1] =	stream.indirect_vreg.gather [hbm4b:s5+s1], $0x80, v3, vm0, $0xb8;
	[tilespmem:$0x18100] =	vst v63  }
0xb5: {  	_ =	swait.ge [sflag:s2], $0x18000  }
0xb6: {  	[sflag:s2] =	ssyncset.done $0x0  }
0xb7: {  	s0 =	simm.s32 $0x100;
	s9 =	rddreg [dreg:$0x5];
	[sflag:s2] =	ssyncadd.s32 $0xFFFE8000  }
0xb8: {  	[hbm4b:s9+s1] =	stream.linear.scatter [tilespmem:s0], [sflag:$0x2], $0x18000, $0x38;
	[tilespmem:$0x18100] =	vst v63  }
0xb9: {  	_ =	swait.ge [sflag:s7], $0x18000  }
0xba: {  	[sflag:s7] =	ssyncset.done $0x0  }
0xbb: {  	[sflag:s7] =	ssyncadd.s32 $0xFFFE8000  }
0xbc: {  	v3 =	vld [tilespmem:$0x80];
	_ =	sdelay $0x4  }
0xbd: {  	v56 =	vshrl.u32 v3, $0x3  }
0xbe: {  	v4 =	vmul.u32 $0x30, v56  }
0xbf: {  	v3 =	vand.u32 $0x7, v3  }
0xc0: {  	v3 =	vor.u32 v3, v4  }
0xc1: {  	v4 =	vperm.xlane v3, v0;
	_ =	sdelay $0x1  }
0xc2: {  	v4 =	vadd.s32 v1, v4;
	_ =	sdelay $0x3  }
0xc3: {  	v3 =	vperm.xlane v3, v2  }
0xc4: {  	[tilespmem:s0], [sflag:$0x1] =	stream.indirect_vreg.gather [hbm4b:s3+s1], $0x80, v4, vm0, $0xb8;
	[tilespmem:$0x18100] =	vst v63  }
0xc5: {  	v3 =	vadd.s32 v1, v3  }
0xc6: {  	[tilespmem:s10], [sflag:$0x1] =	stream.indirect_vreg.gather [hbm4b:s4+s1], $0x80, v4, vm0, $0xb8;
	[tilespmem:$0x18100] =	vst v63  }
0xc7: {  	_ = 	snop  }
0xc8: {  	[tilespmem:s11], [sflag:$0x1] =	stream.indirect_vreg.gather [hbm4b:s5+s1], $0x80, v4, vm0, $0xb8;
	[tilespmem:$0x18100] =	vst v63  }
0xc9: {  	_ = 	snop  }
0xca: {  	[tilespmem:s12], [sflag:$0x1] =	stream.indirect_vreg.gather [hbm4b:s3+s1], $0x80, v3, vm0, $0xb8;
	[tilespmem:$0x18100] =	vst v63  }
0xcb: {  	_ = 	snop  }
0xcc: {  	[tilespmem:s13], [sflag:$0x1] =	stream.indirect_vreg.gather [hbm4b:s4+s1], $0x80, v3, vm0, $0xb8;
	[tilespmem:$0x18100] =	vst v63  }
0xcd: {  	_ = 	snop  }
0xce: {  	[tilespmem:s14], [sflag:$0x1] =	stream.indirect_vreg.gather [hbm4b:s5+s1], $0x80, v3, vm0, $0xb8;
	[tilespmem:$0x18100] =	vst v63  }
0xcf: {  	v3 =	vld [tilespmem:$0x90];
	_ =	sdelay $0x4  }
0xd0: {  	v57 =	vshrl.u32 v3, $0x3  }
0xd1: {  	v4 =	vmul.u32 $0x30, v57  }
0xd2: {  	v3 =	vand.u32 $0x7, v3  }
0xd3: {  	v3 =	vor.u32 v3, v4  }
0xd4: {  	v4 =	vperm.xlane v3, v0;
	_ =	sdelay $0x1  }
0xd5: {  	v4 =	vadd.s32 v1, v4;
	_ =	sdelay $0x3  }
0xd6: {  	v3 =	vperm.xlane v3, v2  }
0xd7: {  	[tilespmem:s15], [sflag:$0x1] =	stream.indirect_vreg.gather [hbm4b:s3+s1], $0x80, v4, vm0, $0xb8;
	[tilespmem:$0x18100] =	vst v63  }
0xd8: {  	v3 =	vadd.s32 v1, v3  }
0xd9: {  	[tilespmem:s16], [sflag:$0x1] =	stream.indirect_vreg.gather [hbm4b:s4+s1], $0x80, v4, vm0, $0xb8;
	[tilespmem:$0x18100] =	vst v63  }
0xda: {  	_ = 	snop  }
0xdb: {  	[tilespmem:s17], [sflag:$0x1] =	stream.indirect_vreg.gather [hbm4b:s5+s1], $0x80, v4, vm0, $0xb8;
	[tilespmem:$0x18100] =	vst v63  }
0xdc: {  	_ = 	snop  }
0xdd: {  	[tilespmem:s18], [sflag:$0x1] =	stream.indirect_vreg.gather [hbm4b:s3+s1], $0x80, v3, vm0, $0xb8;
	[tilespmem:$0x18100] =	vst v63  }
0xde: {  	_ = 	snop  }
0xdf: {  	[tilespmem:s19], [sflag:$0x1] =	stream.indirect_vreg.gather [hbm4b:s4+s1], $0x80, v3, vm0, $0xb8;
	[tilespmem:$0x18100] =	vst v63  }
0xe0: {  	_ = 	snop  }
0xe1: {  	[tilespmem:s20], [sflag:$0x1] =	stream.indirect_vreg.gather [hbm4b:s5+s1], $0x80, v3, vm0, $0xb8;
	[tilespmem:$0x18100] =	vst v63  }
0xe2: {  	v3 =	vld [tilespmem:$0xA0];
	_ =	sdelay $0x4  }
0xe3: {  	v58 =	vshrl.u32 v3, $0x3  }
0xe4: {  	v4 =	vmul.u32 $0x30, v58  }
0xe5: {  	v3 =	vand.u32 $0x7, v3  }
0xe6: {  	v3 =	vor.u32 v3, v4  }
0xe7: {  	v4 =	vperm.xlane v3, v0;
	_ =	sdelay $0x1  }
0xe8: {  	v4 =	vadd.s32 v1, v4;
	_ =	sdelay $0x3  }
0xe9: {  	v3 =	vperm.xlane v3, v2  }
0xea: {  	[tilespmem:s21], [sflag:$0x1] =	stream.indirect_vreg.gather [hbm4b:s3+s1], $0x80, v4, vm0, $0xb8;
	[tilespmem:$0x18100] =	vst v63  }
0xeb: {  	v3 =	vadd.s32 v1, v3  }
0xec: {  	[tilespmem:s22], [sflag:$0x1] =	stream.indirect_vreg.gather [hbm4b:s4+s1], $0x80, v4, vm0, $0xb8;
	[tilespmem:$0x18100] =	vst v63  }
0xed: {  	_ = 	snop  }
0xee: {  	[tilespmem:s23], [sflag:$0x1] =	stream.indirect_vreg.gather [hbm4b:s5+s1], $0x80, v4, vm0, $0xb8;
	[tilespmem:$0x18100] =	vst v63  }
0xef: {  	_ = 	snop  }
0xf0: {  	[tilespmem:s24], [sflag:$0x1] =	stream.indirect_vreg.gather [hbm4b:s3+s1], $0x80, v3, vm0, $0xb8;
	[tilespmem:$0x18100] =	vst v63  }
0xf1: {  	_ = 	snop  }
0xf2: {  	[tilespmem:s25], [sflag:$0x1] =	stream.indirect_vreg.gather [hbm4b:s4+s1], $0x80, v3, vm0, $0xb8;
	[tilespmem:$0x18100] =	vst v63  }
0xf3: {  	_ = 	snop  }
0xf4: {  	[tilespmem:s26], [sflag:$0x1] =	stream.indirect_vreg.gather [hbm4b:s5+s1], $0x80, v3, vm0, $0xb8;
	[tilespmem:$0x18100] =	vst v63  }
0xf5: {  	v3 =	vld [tilespmem:$0xB0];
	_ =	sdelay $0x4  }
0xf6: {  	v59 =	vshrl.u32 v3, $0x3  }
0xf7: {  	v4 =	vmul.u32 $0x30, v59  }
0xf8: {  	v3 =	vand.u32 $0x7, v3  }
0xf9: {  	v3 =	vor.u32 v3, v4  }
0xfa: {  	v4 =	vperm.xlane v3, v0;
	_ =	sdelay $0x1  }
0xfb: {  	v4 =	vadd.s32 v1, v4;
	_ =	sdelay $0x3  }
0xfc: {  	v3 =	vperm.xlane v3, v2  }
0xfd: {  	[tilespmem:s28], [sflag:$0x1] =	stream.indirect_vreg.gather [hbm4b:s3+s1], $0x80, v4, vm0, $0xb8;
	[tilespmem:$0x18100] =	vst v63  }
0xfe: {  	v3 =	vadd.s32 v1, v3  }
0xff: {  	[tilespmem:s29], [sflag:$0x1] =	stream.indirect_vreg.gather [hbm4b:s4+s1], $0x80, v4, vm0, $0xb8;
	[tilespmem:$0x18100] =	vst v63  }
0x100: {  	_ = 	snop  }
0x101: {  	[tilespmem:s30], [sflag:$0x1] =	stream.indirect_vreg.gather [hbm4b:s5+s1], $0x80, v4, vm0, $0xb8;
	[tilespmem:$0x18100] =	vst v63  }
0x102: {  	_ = 	snop  }
0x103: {  	[tilespmem:s31], [sflag:$0x1] =	stream.indirect_vreg.gather [hbm4b:s3+s1], $0x80, v3, vm0, $0xb8;
	[tilespmem:$0x18100] =	vst v63  }
0x104: {  	s10 =	simm.s32 $0xB100  }
0x105: {  	[tilespmem:s10], [sflag:$0x1] =	stream.indirect_vreg.gather [hbm4b:s4+s1], $0x80, v3, vm0, $0xb8;
	[tilespmem:$0x18100] =	vst v63  }
0x106: {  	_ = 	snop  }
0x107: {  	[tilespmem:s8], [sflag:$0x1] =	stream.indirect_vreg.gather [hbm4b:s5+s1], $0x80, v3, vm0, $0xb8;
	[tilespmem:$0x18100] =	vst v63  }
0x108: {  	v3 =	vld [tilespmem:$0xC0];
	_ =	sdelay $0x4  }
0x109: {  	v60 =	vshrl.u32 v3, $0x3  }
0x10a: {  	v4 =	vmul.u32 $0x30, v60  }
0x10b: {  	v3 =	vand.u32 $0x7, v3  }
0x10c: {  	v3 =	vor.u32 v3, v4  }
0x10d: {  	v4 =	vperm.xlane v3, v0;
	_ =	sdelay $0x1  }
0x10e: {  	v4 =	vadd.s32 v1, v4;
	_ =	sdelay $0x3  }
0x10f: {  	s9 =	simm.s32 $0xC100;
	v3 =	vperm.xlane v3, v2  }
0x110: {  	[tilespmem:s9], [sflag:$0x1] =	stream.indirect_vreg.gather [hbm4b:s3+s1], $0x80, v4, vm0, $0xb8;
	[tilespmem:$0x18100] =	vst v63  }
0x111: {  	s10 =	simm.s32 $0xC900;
	v3 =	vadd.s32 v1, v3  }
0x112: {  	[tilespmem:s10], [sflag:$0x1] =	stream.indirect_vreg.gather [hbm4b:s4+s1], $0x80, v4, vm0, $0xb8;
	[tilespmem:$0x18100] =	vst v63  }
0x113: {  	s9 =	simm.s32 $0xD100  }
0x114: {  	[tilespmem:s9], [sflag:$0x1] =	stream.indirect_vreg.gather [hbm4b:s5+s1], $0x80, v4, vm0, $0xb8;
	[tilespmem:$0x18100] =	vst v63  }
0x115: {  	s10 =	simm.s32 $0xD900  }
0x116: {  	[tilespmem:s10], [sflag:$0x1] =	stream.indirect_vreg.gather [hbm4b:s3+s1], $0x80, v3, vm0, $0xb8;
	[tilespmem:$0x18100] =	vst v63  }
0x117: {  	s9 =	simm.s32 $0xE100  }
0x118: {  	[tilespmem:s9], [sflag:$0x1] =	stream.indirect_vreg.gather [hbm4b:s4+s1], $0x80, v3, vm0, $0xb8;
	[tilespmem:$0x18100] =	vst v63  }
0x119: {  	s10 =	simm.s32 $0xE900  }
0x11a: {  	[tilespmem:s10], [sflag:$0x1] =	stream.indirect_vreg.gather [hbm4b:s5+s1], $0x80, v3, vm0, $0xb8;
	[tilespmem:$0x18100] =	vst v63  }
0x11b: {  	v3 =	vld [tilespmem:$0xD0];
	_ =	sdelay $0x4  }
0x11c: {  	v61 =	vshrl.u32 v3, $0x3  }
0x11d: {  	v4 =	vmul.u32 $0x30, v61  }
0x11e: {  	v3 =	vand.u32 $0x7, v3  }
0x11f: {  	v3 =	vor.u32 v3, v4  }
0x120: {  	v4 =	vperm.xlane v3, v0;
	_ =	sdelay $0x1  }
0x121: {  	v4 =	vadd.s32 v1, v4;
	_ =	sdelay $0x3  }
0x122: {  	s9 =	simm.s32 $0xF100;
	v3 =	vperm.xlane v3, v2  }
0x123: {  	[tilespmem:s9], [sflag:$0x1] =	stream.indirect_vreg.gather [hbm4b:s3+s1], $0x80, v4, vm0, $0xb8;
	[tilespmem:$0x18100] =	vst v63  }
0x124: {  	s10 =	simm.s32 $0xF900;
	v3 =	vadd.s32 v1, v3  }
0x125: {  	[tilespmem:s10], [sflag:$0x1] =	stream.indirect_vreg.gather [hbm4b:s4+s1], $0x80, v4, vm0, $0xb8;
	[tilespmem:$0x18100] =	vst v63  }
0x126: {  	s9 =	simm.s32 $0x10100  }
0x127: {  	[tilespmem:s9], [sflag:$0x1] =	stream.indirect_vreg.gather [hbm4b:s5+s1], $0x80, v4, vm0, $0xb8;
	[tilespmem:$0x18100] =	vst v63  }
0x128: {  	s10 =	simm.s32 $0x10900  }
0x129: {  	[tilespmem:s10], [sflag:$0x1] =	stream.indirect_vreg.gather [hbm4b:s3+s1], $0x80, v3, vm0, $0xb8;
	[tilespmem:$0x18100] =	vst v63  }
0x12a: {  	s9 =	simm.s32 $0x11100  }
0x12b: {  	[tilespmem:s9], [sflag:$0x1] =	stream.indirect_vreg.gather [hbm4b:s4+s1], $0x80, v3, vm0, $0xb8;
	[tilespmem:$0x18100] =	vst v63  }
0x12c: {  	s10 =	simm.s32 $0x11900  }
0x12d: {  	[tilespmem:s10], [sflag:$0x1] =	stream.indirect_vreg.gather [hbm4b:s5+s1], $0x80, v3, vm0, $0xb8;
	[tilespmem:$0x18100] =	vst v63  }
0x12e: {  	v3 =	vld [tilespmem:$0xE0];
	_ =	sdelay $0x4  }
0x12f: {  	v62 =	vshrl.u32 v3, $0x3  }
0x130: {  	v4 =	vmul.u32 $0x30, v62  }
0x131: {  	v3 =	vand.u32 $0x7, v3  }
0x132: {  	v3 =	vor.u32 v3, v4  }
0x133: {  	v4 =	vperm.xlane v3, v0;
	_ =	sdelay $0x1  }
0x134: {  	v4 =	vadd.s32 v1, v4;
	_ =	sdelay $0x3  }
0x135: {  	s9 =	simm.s32 $0x12100;
	v3 =	vperm.xlane v3, v2  }
0x136: {  	[tilespmem:s9], [sflag:$0x1] =	stream.indirect_vreg.gather [hbm4b:s3+s1], $0x80, v4, vm0, $0xb8;
	[tilespmem:$0x18100] =	vst v63  }
0x137: {  	s10 =	simm.s32 $0x12900;
	v3 =	vadd.s32 v1, v3  }
0x138: {  	[tilespmem:s10], [sflag:$0x1] =	stream.indirect_vreg.gather [hbm4b:s4+s1], $0x80, v4, vm0, $0xb8;
	[tilespmem:$0x18100] =	vst v63  }
0x139: {  	s9 =	simm.s32 $0x13100  }
0x13a: {  	[tilespmem:s9], [sflag:$0x1] =	stream.indirect_vreg.gather [hbm4b:s5+s1], $0x80, v4, vm0, $0xb8;
	[tilespmem:$0x18100] =	vst v63  }
0x13b: {  	s10 =	simm.s32 $0x13900  }
0x13c: {  	[tilespmem:s10], [sflag:$0x1] =	stream.indirect_vreg.gather [hbm4b:s3+s1], $0x80, v3, vm0, $0xb8;
	[tilespmem:$0x18100] =	vst v63  }
0x13d: {  	s9 =	simm.s32 $0x14100  }
0x13e: {  	[tilespmem:s9], [sflag:$0x1] =	stream.indirect_vreg.gather [hbm4b:s4+s1], $0x80, v3, vm0, $0xb8;
	[tilespmem:$0x18100] =	vst v63  }
0x13f: {  	s10 =	simm.s32 $0x14900  }
0x140: {  	[tilespmem:s10], [sflag:$0x1] =	stream.indirect_vreg.gather [hbm4b:s5+s1], $0x80, v3, vm0, $0xb8;
	[tilespmem:$0x18100] =	vst v63  }
0x141: {  	v3 =	vld [tilespmem:$0xF0];
	_ =	sdelay $0x4  }
0x142: {  	v63 =	vshrl.u32 v3, $0x3  }
0x143: {  	v4 =	vmul.u32 $0x30, v63  }
0x144: {  	v3 =	vand.u32 $0x7, v3  }
0x145: {  	v3 =	vor.u32 v3, v4  }
0x146: {  	v4 =	vperm.xlane v3, v0;
	_ =	sdelay $0x1  }
0x147: {  	v4 =	vadd.s32 v1, v4;
	_ =	sdelay $0x3  }
0x148: {  	s9 =	simm.s32 $0x15100;
	v3 =	vperm.xlane v3, v2  }
0x149: {  	[tilespmem:s9], [sflag:$0x1] =	stream.indirect_vreg.gather [hbm4b:s3+s1], $0x80, v4, vm0, $0xb8;
	[tilespmem:$0x18100] =	vst v63  }
0x14a: {  	s10 =	simm.s32 $0x15900;
	v3 =	vadd.s32 v1, v3  }
0x14b: {  	[tilespmem:s10], [sflag:$0x1] =	stream.indirect_vreg.gather [hbm4b:s4+s1], $0x80, v4, vm0, $0xb8;
	[tilespmem:$0x18100] =	vst v63  }
0x14c: {  	s9 =	simm.s32 $0x16100  }
0x14d: {  	[tilespmem:s9], [sflag:$0x1] =	stream.indirect_vreg.gather [hbm4b:s5+s1], $0x80, v4, vm0, $0xb8;
	[tilespmem:$0x18100] =	vst v63  }
0x14e: {  	s10 =	simm.s32 $0x16900  }
0x14f: {  	[tilespmem:s10], [sflag:$0x1] =	stream.indirect_vreg.gather [hbm4b:s3+s1], $0x80, v3, vm0, $0xb8;
	[tilespmem:$0x18100] =	vst v63  }
0x150: {  	s9 =	simm.s32 $0x17100  }
0x151: {  	[tilespmem:s9], [sflag:$0x1] =	stream.indirect_vreg.gather [hbm4b:s4+s1], $0x80, v3, vm0, $0xb8;
	[tilespmem:$0x18100] =	vst v63  }
0x152: {  	s10 =	simm.s32 $0x17900  }
0x153: {  	[tilespmem:s10], [sflag:$0x1] =	stream.indirect_vreg.gather [hbm4b:s5+s1], $0x80, v3, vm0, $0xb8;
	[tilespmem:$0x18100] =	vst v63  }
0x154: {  	_ =	swait.ge [sflag:s2], $0x18000  }
0x155: {  	p0 =	sne.s32 s6, $0x1;
	s10 =	simm.s32 $0x100;
	[sflag:s2] =	ssyncset.done $0x0  }
.Ltmp0:
0x156: {  	s0 =	rddreg [dreg:$0x6];
	[sflag:s2] =	ssyncadd.s32 $0xFFFE8000;
	(pc) =	sbr.rel @p0 .LBB2_1-.Ltmp0, $4  }
0x157: {  	[hbm4b:s0+s1] =	stream.linear.scatter [tilespmem:s10], [sflag:$0x2], $0x18000, $0x38;
	[tilespmem:$0x18100] =	vst v63  }
0x158: {  	_ =	swait.ge [sflag:s7], $0x18000  }
0x159: {  	[sflag:s7] =	ssyncset.done $0x0  }
0x15a: {  	s6 =	sadd.s32 $0xFFFFFFFF, s6;
	[sflag:s7] =	ssyncadd.s32 $0xFFFE8000  }
0x15b: {  	_ =	sfence.sel $0x180000  }
0x15c: {  	[bflag:$0x0] =	sbarrier.arrive $0xFFFF  }
0x15d: {  	_ =	strace $0x9000004A  }
0x15e: {  	s0 =	stileid.u32;
	[bflag:$0x2] =	sbarrier.arrive $0xFFFF  }
0x15f: {  	p0 =	sne.s32 s0, $0x0;
	s0 =	rddreg [dreg:$0x2]  }
0x160: {  	s0 =	sadd.s32 @!p0 $0x100000, s0  }
0x161: {  	[sflag:s0] =	ssyncadd.tile.s32 @!p0 $0x1;
	_ =	shalt  }
.Lfunc_end2:
_tile_overlayer_lowered:
.L_overlay_start_2:
0x162: {  	(tag) =	ssettag $0x2  }
0x163: {  	s0 =	rddreg [dreg:$0x0];
	s2 =	stileid.u32  }
0x164: {  	s1 =	rddreg [dreg:$0x1];
	p0 =	sne.s32 s2, $0x0  }
0x165: {  	s3 =	rddreg [dreg:$0x2];
	[bflag:$0x3] =	sbarrier.arrive $0xFFFF;
	s2 =	simm.s32 @!p0 $0x1C02  }
0x166: {  	[timem:s3], [sflag:s2] =	dma.local @!p0 [hbm:s0], s1  }
0x167: {  	s0 =	simm.s32 @!p0 $0x2  }
0x168: {  	_ =	swait.ge @!p0 [sflag:s0], s1  }
0x169: {  	s1 =	ssub.s32 @!p0 $0x0, s1;
	[sflag:s0] =	ssyncset.done @!p0 $0x0  }
0x16a: {  	[sflag:s0] =	ssyncadd.s32 @!p0 s1  }
0x16b: {  	[bflag:$0x3] =	sbarrier.arrive $0xFFFF  }
0x16c: {  	_ =	shalt  }

// kernel: kernel.7.cloned.1.call-start
scs
__scs_entry_jumppad:
0x0: {  	(pc) =	sbr.rel $0x88, $3  }
0x1: {  	(tag) =	ssettag $0x0;
	lr =	simm.s32 $0x1  }
0x2: {  	[smem:$0x3F9B] =	sst lr;
	_ =	strace $0xD0000000  }
0x3: {  	_ = 	snop  }
0x4: {  	_ = 	snop  }
0x5: {  	_ = 	snop  }
0x6: {  	_ = 	snop  }
0x7: {  	_ = 	snop  }
__scs_overlays_trampoline_lowered:
0x8: {  	[smem:$0x3FAA] =	sst s0  }
0x9: {  	[smem:$0x3FAB] =	sst s1  }
0xa: {  	[smem:$0x3FAC] =	sst s2  }
0xb: {  	[smem:$0x3FAD] =	sst s3  }
0xc: {  	[smem:$0x3FAE] =	sst s4  }
0xd: {  	[smem:$0x3FAF] =	sst s5  }
0xe: {  	[smem:$0x3FB0] =	sst s6  }
0xf: {  	[smem:$0x3FB1] =	sst s7  }
0x10: {  	[smem:$0x3FB2] =	sst s8  }
0x11: {  	[smem:$0x3FB3] =	sst s9;
	s0 =	simm.s32 @!p0 $0x0  }
0x12: {  	s1 =	sld [smem:$0x3F99];
	s0 =	simm.s32 @p0 $0x1  }
0x13: {  	[smem:$0x3FB4] =	sst s0;
	s0 =	simm.s32 @!p1 $0x0  }
0x14: {  	s2 =	sld [smem:$0x3F98];
	s0 =	simm.s32 @p1 $0x1  }
0x15: {  	[smem:$0x3FB5] =	sst s0;
	s0 =	simm.s32 @!p2 $0x0  }
0x16: {  	s3 =	sld [smem:$0x3FDB];
	s0 =	simm.s32 @p2 $0x1  }
0x17: {  	s4 =	simm.s32 $0x1BF5;
	[smem:$0x3FB7] =	sst s0  }
0x18: {  	s0 =	sld [smem:$0x3F9A];
	_ =	swait.ge [sflag:s4], $0x0  }
0x19: {  	s7 =	sld [smem:$0x3F9B]  }
0x1a: {  	s8 =	sadd.s32 $0xFFFFE003, lr  }
0x1b: {  	s9 =	sadd.s32 $0xFFFFFEF7, lr;
	s5 =	simm.s32 $0xFFFFFFFF;
	p2 =	slt.u32 s8, $0xFFFFF086  }
0x1c: {  	p1 =	slt.u32 s9, $0xF7A;
	s5 =	simm.s32 @!p2 $0x0  }
0x1d: {  	s5 =	simm.s32 @p1 $0x1;
	p0 =	seq.s32 s7, s2  }
0x1e: {  	s7 =	smul.u32 @!p0 $0xF7A, s2;
	p2 =	seq.s32 @!p0 s5, $0x0  }
0x1f: {  	s9 =	smul.u32 $0xF7A, s1;
	s8 =	simm.s32 @!p0 $0x1BF5;
	p2 =	por !p2, p0  }
0x20: {  	[sflag:s8] =	ssyncset.s32 @!p0 $0xFFFFF086;
	s6 =	sadd.s32 @!p0 s3, s7;
	s7 =	simm.s32 @!p0 $0x108  }
0x21: {  	s3 =	sadd.s32 s3, s9;
	s6 =	sadd.s32 @!p0 $0x88, s6;
	s7 =	simm.s32 @p2 $0x1082  }
0x22: {  	[simem:s7], [sflag:s8] =	dma.local @!p0 [hbm:s6], $0xF7A  }
0x23: {  	s9 =	sor.u32 $0xD0000000, s2;
	s6 =	simm.s32 $0x108;
	_ =	swait.ge @!p0 [sflag:s8], $0x0  }
0x24: {  	s3 =	sadd.s32 $0x88, s3;
	s6 =	simm.s32 @!p1 $0x1082;
	[sflag:s4] =	ssyncset.s32 $0xFFFFF086  }
0x25: {  	[simem:s6], [sflag:s4] =	dma.local [hbm:s3], $0xF7A  }
0x26: {  	[smem:$0x3F9B] =	sst s1;
	(tag) =	ssettag s2;
	_ =	strace s9  }
0x27: {  	s1 =	sld [smem:$0x3FAB]  }
0x28: {  	s2 =	sld [smem:$0x3FAC]  }
0x29: {  	s4 =	sld [smem:$0x3FAE]  }
0x2a: {  	p0 =	seq.s32 s5, $0x0;
	s5 =	sld [smem:$0x3FAF]  }
0x2b: {  	s6 =	sld [smem:$0x3FB0]  }
0x2c: {  	s7 =	sld [smem:$0x3FB1]  }
0x2d: {  	s3 =	simm.s32 $0x108;
	s8 =	sld [smem:$0x3FB2]  }
0x2e: {  	s3 =	simm.s32 @!p0 $0x1082;
	s9 =	sld [smem:$0x3FB3]  }
0x2f: {  	lr =	sadd.s32 s0, s3;
	s0 =	sld [smem:$0x3FAA]  }
0x30: {  	s3 =	sld [smem:$0x3FAD]  }
0x31: {  	[smem:$0x3FB6] =	sst s10  }
0x32: {  	s10 =	sld [smem:$0x3FB4];
	_ =	sdelay $0x3  }
0x33: {  	p0 =	seq.s32 s10, $0x1;
	s10 =	sld [smem:$0x3FB6];
	_ =	sdelay $0x3  }
0x34: {  	[smem:$0x3FB6] =	sst s10  }
0x35: {  	s10 =	sld [smem:$0x3FB5];
	_ =	sdelay $0x3  }
0x36: {  	p1 =	seq.s32 s10, $0x1;
	s10 =	sld [smem:$0x3FB6];
	_ =	sdelay $0x3  }
0x37: {  	[smem:$0x3FB6] =	sst s10  }
0x38: {  	s10 =	sld [smem:$0x3FB7]  }
0x39: {  	_ = 	snop;
	(pc) =	sbr.ind lr, $3  }
0x3a: {  	_ = 	snop  }
0x3b: {  	_ = 	snop  }
0x3c: {  	p2 =	seq.s32 s10, $0x1;
	s10 =	sld [smem:$0x3FB6]  }
0x3d: {  	_ =	shalt  }
0x3e: {  	_ =	shalt  }
0x3f: {  	_ =	shalt  }
0x40: {  	_ =	shalt  }
0x41: {  	_ =	shalt  }
0x42: {  	_ =	shalt  }
0x43: {  	_ =	shalt  }
0x44: {  	_ =	shalt  }
0x45: {  	_ =	shalt  }
0x46: {  	_ =	shalt  }
0x47: {  	_ =	shalt  }
0x48: {  	_ =	shalt  }
0x49: {  	_ =	shalt  }
0x4a: {  	_ =	shalt  }
0x4b: {  	_ =	shalt  }
0x4c: {  	_ =	shalt  }
0x4d: {  	_ =	shalt  }
0x4e: {  	_ =	shalt  }
0x4f: {  	_ =	shalt  }
0x50: {  	_ =	shalt  }
0x51: {  	_ =	shalt  }
0x52: {  	_ =	shalt  }
0x53: {  	_ =	shalt  }
0x54: {  	_ =	shalt  }
0x55: {  	_ =	shalt  }
0x56: {  	_ =	shalt  }
0x57: {  	_ =	shalt  }
0x58: {  	_ =	shalt  }
0x59: {  	_ =	shalt  }
0x5a: {  	_ =	shalt  }
0x5b: {  	_ =	shalt  }
0x5c: {  	_ =	shalt  }
0x5d: {  	_ =	shalt  }
0x5e: {  	_ =	shalt  }
0x5f: {  	_ =	shalt  }
0x60: {  	_ =	shalt  }
0x61: {  	_ =	shalt  }
0x62: {  	_ =	shalt  }
0x63: {  	_ =	shalt  }
0x64: {  	_ =	shalt  }
0x65: {  	_ =	shalt  }
0x66: {  	_ =	shalt  }
0x67: {  	_ =	shalt  }
0x68: {  	_ =	shalt  }
0x69: {  	_ =	shalt  }
0x6a: {  	_ =	shalt  }
0x6b: {  	_ =	shalt  }
0x6c: {  	_ =	shalt  }
0x6d: {  	_ =	shalt  }
0x6e: {  	_ =	shalt  }
0x6f: {  	_ =	shalt  }
0x70: {  	_ =	shalt  }
0x71: {  	_ =	shalt  }
0x72: {  	_ =	shalt  }
0x73: {  	_ =	shalt  }
0x74: {  	_ =	shalt  }
0x75: {  	_ =	shalt  }
0x76: {  	_ =	shalt  }
0x77: {  	_ =	shalt  }
0x78: {  	_ =	shalt  }
0x79: {  	_ =	shalt  }
0x7a: {  	_ =	shalt  }
0x7b: {  	_ =	shalt  }
0x7c: {  	_ =	shalt  }
0x7d: {  	_ =	shalt  }
0x7e: {  	_ =	shalt  }
0x7f: {  	_ =	shalt  }
0x80: {  	_ =	shalt  }
0x81: {  	_ =	shalt  }
0x82: {  	_ =	shalt  }
0x83: {  	_ =	shalt  }
0x84: {  	_ =	shalt  }
0x85: {  	_ =	shalt  }
0x86: {  	_ =	shalt  }
0x87: {  	_ =	shalt  }
.Lfunc_end0:
.L_simem_size_0:
called_computation_lowered:
.L_overlay_start_0:
0x88: {  	s2 =	sld [smem:$0x3FD9]  }
0x89: {  	s3 =	sld [smem:$0x3FFE];
	_ =	sdelay $0x1  }
0x8a: {  	s1 =	srdreg.scid  }
0x8b: {  	s0 =	sand.u32 $0x1, s1  }
0x8c: {  	s17 =	sshll.u32 s0, $0xA;
	s2 =	sadd.s32 s3, s2  }
0x8d: {  	s2 =	sadd.s32 s2, s17  }
0x8e: {  	[smem:$0x3FC2] =	sst s2  }
0x8f: {  	_ = 	snop  }
0x90: {  	s2 =	sld [smem:$0x3FC9]  }
0x91: {  	s18 =	sld [smem:$0x3FD0];
	(tm) =	ssettm $0x1  }
0x92: {  	s4 =	sld [smem:$0x3FFB];
	_ =	sdelay $0x3  }
0x93: {  	_ =	strace s4  }
0x94: {  	s4 =	sld [smem:$0x3FFC];
	_ =	sdelay $0x3  }
0x95: {  	_ =	strace s4  }
0x96: {  	s4 =	sld [smem:$0x3FFD];
	_ =	sdelay $0x3  }
0x97: {  	_ =	strace s4  }
0x98: {  	_ =	strace $0x8FFFFFFF  }
0x99: {  	s19 =	sld [smem:$0x3FDB];
	_ =	sdelay $0x1  }
0x9a: {  	s5 =	simm.s32 $_scs_section_size  }
0x9b: {  	s6 =	simm.s32 $_size__tile_overlayer_lowered;
	s7 =	simm.s32 $_tile_overlayer_lowered  }
0x9c: {  	s22 =	simm.s32 $0x1BFF;
	s21 =	sshll.u32 s7, $0x1;
	s4 =	sadd.s32 s5, s19  }
0x9d: {  	s8 =	simm.s32 $0x0;
	s20 =	sshll.u32 s6, $0x1;
	s6 =	sadd.s32 s21, s4  }
0x9e: {  	[timem:s8], [sflag:s22] =	dma.local [hbm:s6], s20  }
0x9f: {  	_ =	swait.ge [sflag:s22], s20  }
0xa0: {  	s5 =	ssub.s32 $0x0, s20;
	[sflag:s22] =	ssyncset.done $0x0  }
0xa1: {  	[sflag:s22] =	ssyncadd.s32 s5;
	_ =	sdelay $0x1  }
0xa2: {  	s23 =	simm.s32 $0x1B8B  }
0xa3: {  	_ =	swait.ge [sflag:s23], $0x1  }
0xa4: {  	[sflag:s23] =	ssyncset.done $0x0  }
0xa5: {  	s25 =	simm.s32 $0x1B8E;
	s24 =	sld [smem:$0x3FFE];
	[sflag:s23] =	ssyncadd.s32 $0xFFFFFFFF  }
0xa6: {  	s26 =	simm.s32 $execute0_lowered;
	[smem:$0x3FD2] =	sst s25  }
0xa7: {  	s6 =	sshll.u32 s26, $0x1;
	_ =	strace $0x80000046;
	[dreg:$0x1] =	wrdreg $0xFFFFFFFF  }
0xa8: {  	s28 =	simm.s32 $_size_execute0_lowered;
	s4 =	sadd.s32 s4, s6;
	[dreg:$0x0] =	wrdreg $0x0  }
0xa9: {  	s6 =	sshll.u32 s28, $0x1;
	[dreg:$0x2] =	wrdreg s4  }
0xaa: {  	[dreg:$0x3] =	wrdreg s6  }
0xab: {  	[dreg:$0x4] =	wrdreg $0xC0  }
0xac: {  	_ =	task [dreg:s8], $0x5FFFF  }
0xad: {  	[dreg:$0x1] =	wrdreg $0xFFFFFFFF  }
0xae: {  	[dreg:$0x0] =	wrdreg $0x60  }
0xaf: {  	[dreg:$0x2] =	wrdreg s2  }
0xb0: {  	[dreg:$0x3] =	wrdreg s24  }
0xb1: {  	[dreg:$0x4] =	wrdreg s18  }
0xb2: {  	[dreg:$0x5] =	wrdreg $0x9  }
0xb3: {  	_ =	task.clear_ibuf [dreg:s8], $0x6FFFF;
	_ =	strace $0x90000046  }
0xb4: {  	s29 =	simm.s32 $0x9;
	_ =	strace $0x80000048  }
0xb5: {  	_ =	swait.ge [sflag:s29], $0x1  }
0xb6: {  	[sflag:s29] =	ssyncadd.s32 $0xFFFFFFFF  }
0xb7: {  	_ =	strace $0x90000048  }
0xb8: {  	_ =	sfence  }
0xb9: {  	s30 =	sld [smem:$0x0];
	_ =	sdelay $0x2  }
0xba: {  	s31 =	sshll.u32 s1, $0xD;
	s1 =	sshrl.u32 s1, $0x2  }
0xbb: {  	s3 =	sand.u32 $0x4000, s31;
	s1 =	sadd.s32 s1, s30  }
0xbc: {  	s0 =	sor.u32 s3, s0;
	s1 =	sshll.u32 s1, $0x11  }
0xbd: {  	s0 =	sor.u32 s1, s0  }
0xbe: {  	s0 =	sadd.s32 $0x8F2B, s0  }
0xbf: {  	[sflag:s0] =	ssyncadd.remote.s32 $0x1  }
0xc0: {  	_ =	sfence.sel $0xFFFF  }
0xc1: {  	[dreg:$0x0] =	wrdreg $0xFFFFFFFF;
	(pc) =	sbr.abs _section_cstart, $3  }
0xc2: {  	[dreg:$0x1] =	wrdreg $0xFFFFFFFF  }
0xc3: {  	_ =	task.clear_ibuf [dreg:s8], $0x2FFFF;
	_ =	strace $0x9FFFFFFF  }
0xc4: {  	(tm) =	ssettm $0x7FFFFFFF  }
0xc5: {  	_ =	shalt  }
tec
execute0_lowered:
.L_overlay_start_1:
0x0: {  	(tag) =	ssettag $0x1  }
0x1: {  	s0 =	rddreg [dreg:$0x0]  }
0x2: {  	s2 =	rddreg [dreg:$0x1]  }
0x3: {  	s1 =	rddreg [dreg:$0x2]  }
0x4: {  	s3 =	simm.s32 $0x0;
	s4 =	srdreg.scid;
	s5 =	stileid.u32  }
0x5: {  	s26 =	simm.s32 $0x80;
	s11 =	simm.s32 $0x1100;
	s12 =	simm.s32 $0x1900  }
0x6: {  	s13 =	simm.s32 $0x2100;
	s14 =	simm.s32 $0x2900;
	s15 =	simm.s32 $0x3100  }
0x7: {  	s16 =	simm.s32 $0x3900;
	s17 =	simm.s32 $0x4100;
	s18 =	simm.s32 $0x4900  }
0x8: {  	s19 =	simm.s32 $0x5100;
	s20 =	simm.s32 $0x5900;
	s21 =	simm.s32 $0x6100  }
0x9: {  	s22 =	simm.s32 $0x6900;
	s28 =	simm.s32 $0x9100;
	s29 =	simm.s32 $0x9900  }
0xa: {  	s30 =	simm.s32 $0xA100;
	s31 =	simm.s32 $0xA900;
	[smem:$0x7FF] =	sst s3  }
0xb: {  	s4 =	sand.u32 $0x1, s4;
	s5 =	sshll.u32 s5, $0x6;
	s2 =	sadd.s32 $0x400, s2  }
0xc: {  	_ =	strace $0x80000047;
	s6 =	sshll.u32 s4, $0x5;
	s4 =	ssub.s32 $0x2, s4  }
0xd: {  	[dreg:$0x8] =	wrdreg s26;
	s26 =	simm.s32 $0x8900;
	s5 =	sor.u32 s6, s5  }
0xe: {  	s8 =	sshrl.u32 s4, $0x1;
	s6 =	sadd.s32 s2, s5;
	s7 =	sor.u32 $0x10, s5  }
0xf: {  	s5 =	smul.u32 $0x300, s5;
	s25 =	ssub.s32 s4, s8;
	s4 =	sadd.s32 $0x100, s1  }
0x10: {  	[dreg:$0x4] =	wrdreg s6;
	s2 =	sadd.s32 s2, s7;
	s24 =	smul.u32 $0x300, s7  }
0x11: {  	s6 =	smax.u32 s25, $0x1;
	s7 =	simm.s32 $0x2;
	s25 =	simm.s32 $0x8100  }
0x12: {  	v2 =	vlaneseq.u32;
	[dreg:$0x5] =	wrdreg s2;
	s23 =	sadd.s32 s0, s5;
	s5 =	sadd.s32 $0x200, s1  }
0x13: {  	vm0 =	vmmov $0xffff;
	v1 =	vshrl.u32 v2, $0x3;
	s2 =	simm.s32 $0x1;
	[dreg:$0x6] =	wrdreg s23;
	s0 =	sadd.s32 s0, s24  }
0x14: {  	v0 =	vand.u32 $0x7, v2;
	v2 =	vor.u32 $0x8, v2;
	v1 =	vmul.u32 $0x8, v1;
	s23 =	simm.s32 $0x7100;
	s24 =	simm.s32 $0x7900;
	[dreg:$0x7] =	wrdreg s0  }
.LBB2_1:
0x15: {  	s9 =	rddreg [dreg:$0x4]  }
0x16: {  	[tilespmem:s3], [sflag:$0x2] =	stream.linear.gather [hbm4b:s9+s3], $0x80, $0x38;
	[tilespmem:$0x18100] =	vst v63  }
0x17: {  	_ =	swait.ge [sflag:s7], $0x80  }
0x18: {  	s0 =	rddreg [dreg:$0x5];
	[sflag:s7] =	ssyncset.done $0x0  }
0x19: {  	s10 =	rddreg [dreg:$0x8];
	[sflag:s7] =	ssyncadd.s32 $0xFFFFFF80  }
0x1a: {  	[tilespmem:s10], [sflag:$0x2] =	stream.linear.gather [hbm4b:s0+s3], $0x80, $0x38;
	[tilespmem:$0x18100] =	vst v63  }
0x1b: {  	_ =	swait.ge [sflag:s7], $0x80  }
0x1c: {  	[sflag:s7] =	ssyncset.done $0x0  }
0x1d: {  	s0 =	simm.s32 $0x100;
	s8 =	rddreg [dreg:$0x6];
	[sflag:s7] =	ssyncadd.s32 $0xFFFFFF80  }
0x1e: {  	[tilespmem:s0], [sflag:$0x2] =	stream.linear.gather [hbm4b:s8+s3], $0x18000, $0x38;
	[tilespmem:$0x18100] =	vst v63  }
0x1f: {  	_ =	swait.ge [sflag:s7], $0x18000  }
0x20: {  	[sflag:s7] =	ssyncset.done $0x0  }
0x21: {  	[sflag:s7] =	ssyncadd.s32 $0xFFFE8000  }
0x22: {  	v3 =	vld [tilespmem:$0x0];
	_ =	sdelay $0x4  }
0x23: {  	v4 =	vshrl.u32 v3, $0x3  }
0x24: {  	v4 =	vmul.u32 $0x30, v4  }
0x25: {  	v3 =	vand.u32 $0x7, v3  }
0x26: {  	v3 =	vor.u32 v3, v4  }
0x27: {  	v4 =	vperm.xlane v3, v0;
	_ =	sdelay $0x1  }
0x28: {  	v4 =	vadd.s32 v1, v4;
	_ =	sdelay $0x3  }
0x29: {  	v3 =	vperm.xlane v3, v2  }
0x2a: {  	[hbm4b:s1+s3] =	stream.indirect_vreg.scatter [tilespmem:s0], [sflag:$0x1], $0x80, v4, vm0, $0xb8;
	[tilespmem:$0x18100] =	vst v63  }
0x2b: {  	s10 =	simm.s32 $0x900;
	v3 =	vadd.s32 v1, v3  }
0x2c: {  	[hbm4b:s4+s3] =	stream.indirect_vreg.scatter [tilespmem:s10], [sflag:$0x1], $0x80, v4, vm0, $0xb8;
	[tilespmem:$0x18100] =	vst v63  }
0x2d: {  	_ = 	snop  }
0x2e: {  	[hbm4b:s5+s3] =	stream.indirect_vreg.scatter [tilespmem:s11], [sflag:$0x1], $0x80, v4, vm0, $0xb8;
	[tilespmem:$0x18100] =	vst v63  }
0x2f: {  	_ = 	snop  }
0x30: {  	[hbm4b:s1+s3] =	stream.indirect_vreg.scatter [tilespmem:s12], [sflag:$0x1], $0x80, v3, vm0, $0xb8;
	[tilespmem:$0x18100] =	vst v63  }
0x31: {  	_ = 	snop  }
0x32: {  	[hbm4b:s4+s3] =	stream.indirect_vreg.scatter [tilespmem:s13], [sflag:$0x1], $0x80, v3, vm0, $0xb8;
	[tilespmem:$0x18100] =	vst v63  }
0x33: {  	_ = 	snop  }
0x34: {  	[hbm4b:s5+s3] =	stream.indirect_vreg.scatter [tilespmem:s14], [sflag:$0x1], $0x80, v3, vm0, $0xb8;
	[tilespmem:$0x18100] =	vst v63  }
0x35: {  	v3 =	vld [tilespmem:$0x10];
	_ =	sdelay $0x4  }
0x36: {  	v49 =	vshrl.u32 v3, $0x3  }
0x37: {  	v4 =	vmul.u32 $0x30, v49  }
0x38: {  	v3 =	vand.u32 $0x7, v3  }
0x39: {  	v3 =	vor.u32 v3, v4  }
0x3a: {  	v4 =	vperm.xlane v3, v0;
	_ =	sdelay $0x1  }
0x3b: {  	v4 =	vadd.s32 v1, v4;
	_ =	sdelay $0x3  }
0x3c: {  	v3 =	vperm.xlane v3, v2  }
0x3d: {  	[hbm4b:s1+s3] =	stream.indirect_vreg.scatter [tilespmem:s15], [sflag:$0x1], $0x80, v4, vm0, $0xb8;
	[tilespmem:$0x18100] =	vst v63  }
0x3e: {  	v3 =	vadd.s32 v1, v3  }
0x3f: {  	[hbm4b:s4+s3] =	stream.indirect_vreg.scatter [tilespmem:s16], [sflag:$0x1], $0x80, v4, vm0, $0xb8;
	[tilespmem:$0x18100] =	vst v63  }
0x40: {  	_ = 	snop  }
0x41: {  	[hbm4b:s5+s3] =	stream.indirect_vreg.scatter [tilespmem:s17], [sflag:$0x1], $0x80, v4, vm0, $0xb8;
	[tilespmem:$0x18100] =	vst v63  }
0x42: {  	_ = 	snop  }
0x43: {  	[hbm4b:s1+s3] =	stream.indirect_vreg.scatter [tilespmem:s18], [sflag:$0x1], $0x80, v3, vm0, $0xb8;
	[tilespmem:$0x18100] =	vst v63  }
0x44: {  	_ = 	snop  }
0x45: {  	[hbm4b:s4+s3] =	stream.indirect_vreg.scatter [tilespmem:s19], [sflag:$0x1], $0x80, v3, vm0, $0xb8;
	[tilespmem:$0x18100] =	vst v63  }
0x46: {  	_ = 	snop  }
0x47: {  	[hbm4b:s5+s3] =	stream.indirect_vreg.scatter [tilespmem:s20], [sflag:$0x1], $0x80, v3, vm0, $0xb8;
	[tilespmem:$0x18100] =	vst v63  }
0x48: {  	v3 =	vld [tilespmem:$0x20];
	_ =	sdelay $0x4  }
0x49: {  	v50 =	vshrl.u32 v3, $0x3  }
0x4a: {  	v4 =	vmul.u32 $0x30, v50  }
0x4b: {  	v3 =	vand.u32 $0x7, v3  }
0x4c: {  	v3 =	vor.u32 v3, v4  }
0x4d: {  	v4 =	vperm.xlane v3, v0;
	_ =	sdelay $0x1  }
0x4e: {  	v4 =	vadd.s32 v1, v4;
	_ =	sdelay $0x3  }
0x4f: {  	v3 =	vperm.xlane v3, v2  }
0x50: {  	[hbm4b:s1+s3] =	stream.indirect_vreg.scatter [tilespmem:s21], [sflag:$0x1], $0x80, v4, vm0, $0xb8;
	[tilespmem:$0x18100] =	vst v63  }
0x51: {  	v3 =	vadd.s32 v1, v3  }
0x52: {  	[hbm4b:s4+s3] =	stream.indirect_vreg.scatter [tilespmem:s22], [sflag:$0x1], $0x80, v4, vm0, $0xb8;
	[tilespmem:$0x18100] =	vst v63  }
0x53: {  	_ = 	snop  }
0x54: {  	[hbm4b:s5+s3] =	stream.indirect_vreg.scatter [tilespmem:s23], [sflag:$0x1], $0x80, v4, vm0, $0xb8;
	[tilespmem:$0x18100] =	vst v63  }
0x55: {  	_ = 	snop  }
0x56: {  	[hbm4b:s1+s3] =	stream.indirect_vreg.scatter [tilespmem:s24], [sflag:$0x1], $0x80, v3, vm0, $0xb8;
	[tilespmem:$0x18100] =	vst v63  }
0x57: {  	_ = 	snop  }
0x58: {  	[hbm4b:s4+s3] =	stream.indirect_vreg.scatter [tilespmem:s25], [sflag:$0x1], $0x80, v3, vm0, $0xb8;
	[tilespmem:$0x18100] =	vst v63  }
0x59: {  	_ = 	snop  }
0x5a: {  	[hbm4b:s5+s3] =	stream.indirect_vreg.scatter [tilespmem:s26], [sflag:$0x1], $0x80, v3, vm0, $0xb8;
	[tilespmem:$0x18100] =	vst v63  }
0x5b: {  	v3 =	vld [tilespmem:$0x30];
	_ =	sdelay $0x4  }
0x5c: {  	v51 =	vshrl.u32 v3, $0x3  }
0x5d: {  	v4 =	vmul.u32 $0x30, v51  }
0x5e: {  	v3 =	vand.u32 $0x7, v3  }
0x5f: {  	v3 =	vor.u32 v3, v4  }
0x60: {  	v4 =	vperm.xlane v3, v0;
	_ =	sdelay $0x1  }
0x61: {  	v4 =	vadd.s32 v1, v4;
	_ =	sdelay $0x3  }
0x62: {  	v3 =	vperm.xlane v3, v2  }
0x63: {  	[hbm4b:s1+s3] =	stream.indirect_vreg.scatter [tilespmem:s28], [sflag:$0x1], $0x80, v4, vm0, $0xb8;
	[tilespmem:$0x18100] =	vst v63  }
0x64: {  	v3 =	vadd.s32 v1, v3  }
0x65: {  	[hbm4b:s4+s3] =	stream.indirect_vreg.scatter [tilespmem:s29], [sflag:$0x1], $0x80, v4, vm0, $0xb8;
	[tilespmem:$0x18100] =	vst v63  }
0x66: {  	_ = 	snop  }
0x67: {  	[hbm4b:s5+s3] =	stream.indirect_vreg.scatter [tilespmem:s30], [sflag:$0x1], $0x80, v4, vm0, $0xb8;
	[tilespmem:$0x18100] =	vst v63  }
0x68: {  	_ = 	snop  }
0x69: {  	[hbm4b:s1+s3] =	stream.indirect_vreg.scatter [tilespmem:s31], [sflag:$0x1], $0x80, v3, vm0, $0xb8;
	[tilespmem:$0x18100] =	vst v63  }
0x6a: {  	s8 =	simm.s32 $0xB100  }
0x6b: {  	[hbm4b:s4+s3] =	stream.indirect_vreg.scatter [tilespmem:s8], [sflag:$0x1], $0x80, v3, vm0, $0xb8;
	[tilespmem:$0x18100] =	vst v63  }
0x6c: {  	s8 =	simm.s32 $0xB900  }
0x6d: {  	[hbm4b:s5+s3] =	stream.indirect_vreg.scatter [tilespmem:s8], [sflag:$0x1], $0x80, v3, vm0, $0xb8;
	[tilespmem:$0x18100] =	vst v63  }
0x6e: {  	v3 =	vld [tilespmem:$0x40];
	_ =	sdelay $0x4  }
0x6f: {  	v52 =	vshrl.u32 v3, $0x3  }
0x70: {  	v4 =	vmul.u32 $0x30, v52  }
0x71: {  	v3 =	vand.u32 $0x7, v3  }
0x72: {  	v3 =	vor.u32 v3, v4  }
0x73: {  	v4 =	vperm.xlane v3, v0;
	_ =	sdelay $0x1  }
0x74: {  	v4 =	vadd.s32 v1, v4;
	_ =	sdelay $0x3  }
0x75: {  	s9 =	simm.s32 $0xC100;
	v3 =	vperm.xlane v3, v2  }
0x76: {  	[hbm4b:s1+s3] =	stream.indirect_vreg.scatter [tilespmem:s9], [sflag:$0x1], $0x80, v4, vm0, $0xb8;
	[tilespmem:$0x18100] =	vst v63  }
0x77: {  	v3 =	vadd.s32 v1, v3;
	s9 =	simm.s32 $0xC900  }
0x78: {  	[hbm4b:s4+s3] =	stream.indirect_vreg.scatter [tilespmem:s9], [sflag:$0x1], $0x80, v4, vm0, $0xb8;
	[tilespmem:$0x18100] =	vst v63  }
0x79: {  	s9 =	simm.s32 $0xD100  }
0x7a: {  	[hbm4b:s5+s3] =	stream.indirect_vreg.scatter [tilespmem:s9], [sflag:$0x1], $0x80, v4, vm0, $0xb8;
	[tilespmem:$0x18100] =	vst v63  }
0x7b: {  	s9 =	simm.s32 $0xD900  }
0x7c: {  	[hbm4b:s1+s3] =	stream.indirect_vreg.scatter [tilespmem:s9], [sflag:$0x1], $0x80, v3, vm0, $0xb8;
	[tilespmem:$0x18100] =	vst v63  }
0x7d: {  	s9 =	simm.s32 $0xE100  }
0x7e: {  	[hbm4b:s4+s3] =	stream.indirect_vreg.scatter [tilespmem:s9], [sflag:$0x1], $0x80, v3, vm0, $0xb8;
	[tilespmem:$0x18100] =	vst v63  }
0x7f: {  	s9 =	simm.s32 $0xE900  }
0x80: {  	[hbm4b:s5+s3] =	stream.indirect_vreg.scatter [tilespmem:s9], [sflag:$0x1], $0x80, v3, vm0, $0xb8;
	[tilespmem:$0x18100] =	vst v63  }
0x81: {  	v3 =	vld [tilespmem:$0x50];
	_ =	sdelay $0x4  }
0x82: {  	v53 =	vshrl.u32 v3, $0x3  }
0x83: {  	v4 =	vmul.u32 $0x30, v53  }
0x84: {  	v3 =	vand.u32 $0x7, v3  }
0x85: {  	v3 =	vor.u32 v3, v4  }
0x86: {  	v4 =	vperm.xlane v3, v0;
	_ =	sdelay $0x1  }
0x87: {  	v4 =	vadd.s32 v1, v4;
	_ =	sdelay $0x3  }
0x88: {  	s9 =	simm.s32 $0xF100;
	v3 =	vperm.xlane v3, v2  }
0x89: {  	[hbm4b:s1+s3] =	stream.indirect_vreg.scatter [tilespmem:s9], [sflag:$0x1], $0x80, v4, vm0, $0xb8;
	[tilespmem:$0x18100] =	vst v63  }
0x8a: {  	v3 =	vadd.s32 v1, v3;
	s9 =	simm.s32 $0xF900  }
0x8b: {  	[hbm4b:s4+s3] =	stream.indirect_vreg.scatter [tilespmem:s9], [sflag:$0x1], $0x80, v4, vm0, $0xb8;
	[tilespmem:$0x18100] =	vst v63  }
0x8c: {  	s9 =	simm.s32 $0x10100  }
0x8d: {  	[hbm4b:s5+s3] =	stream.indirect_vreg.scatter [tilespmem:s9], [sflag:$0x1], $0x80, v4, vm0, $0xb8;
	[tilespmem:$0x18100] =	vst v63  }
0x8e: {  	s9 =	simm.s32 $0x10900  }
0x8f: {  	[hbm4b:s1+s3] =	stream.indirect_vreg.scatter [tilespmem:s9], [sflag:$0x1], $0x80, v3, vm0, $0xb8;
	[tilespmem:$0x18100] =	vst v63  }
0x90: {  	s9 =	simm.s32 $0x11100  }
0x91: {  	[hbm4b:s4+s3] =	stream.indirect_vreg.scatter [tilespmem:s9], [sflag:$0x1], $0x80, v3, vm0, $0xb8;
	[tilespmem:$0x18100] =	vst v63  }
0x92: {  	s9 =	simm.s32 $0x11900  }
0x93: {  	[hbm4b:s5+s3] =	stream.indirect_vreg.scatter [tilespmem:s9], [sflag:$0x1], $0x80, v3, vm0, $0xb8;
	[tilespmem:$0x18100] =	vst v63  }
0x94: {  	v3 =	vld [tilespmem:$0x60];
	_ =	sdelay $0x4  }
0x95: {  	v54 =	vshrl.u32 v3, $0x3  }
0x96: {  	v4 =	vmul.u32 $0x30, v54  }
0x97: {  	v3 =	vand.u32 $0x7, v3  }
0x98: {  	v3 =	vor.u32 v3, v4  }
0x99: {  	v4 =	vperm.xlane v3, v0;
	_ =	sdelay $0x1  }
0x9a: {  	v4 =	vadd.s32 v1, v4;
	_ =	sdelay $0x3  }
0x9b: {  	s9 =	simm.s32 $0x12100;
	v3 =	vperm.xlane v3, v2  }
0x9c: {  	[hbm4b:s1+s3] =	stream.indirect_vreg.scatter [tilespmem:s9], [sflag:$0x1], $0x80, v4, vm0, $0xb8;
	[tilespmem:$0x18100] =	vst v63  }
0x9d: {  	v3 =	vadd.s32 v1, v3;
	s9 =	simm.s32 $0x12900  }
0x9e: {  	[hbm4b:s4+s3] =	stream.indirect_vreg.scatter [tilespmem:s9], [sflag:$0x1], $0x80, v4, vm0, $0xb8;
	[tilespmem:$0x18100] =	vst v63  }
0x9f: {  	s9 =	simm.s32 $0x13100  }
0xa0: {  	[hbm4b:s5+s3] =	stream.indirect_vreg.scatter [tilespmem:s9], [sflag:$0x1], $0x80, v4, vm0, $0xb8;
	[tilespmem:$0x18100] =	vst v63  }
0xa1: {  	s9 =	simm.s32 $0x13900  }
0xa2: {  	[hbm4b:s1+s3] =	stream.indirect_vreg.scatter [tilespmem:s9], [sflag:$0x1], $0x80, v3, vm0, $0xb8;
	[tilespmem:$0x18100] =	vst v63  }
0xa3: {  	s9 =	simm.s32 $0x14100  }
0xa4: {  	[hbm4b:s4+s3] =	stream.indirect_vreg.scatter [tilespmem:s9], [sflag:$0x1], $0x80, v3, vm0, $0xb8;
	[tilespmem:$0x18100] =	vst v63  }
0xa5: {  	s9 =	simm.s32 $0x14900  }
0xa6: {  	[hbm4b:s5+s3] =	stream.indirect_vreg.scatter [tilespmem:s9], [sflag:$0x1], $0x80, v3, vm0, $0xb8;
	[tilespmem:$0x18100] =	vst v63  }
0xa7: {  	v3 =	vld [tilespmem:$0x70];
	_ =	sdelay $0x4  }
0xa8: {  	v55 =	vshrl.u32 v3, $0x3  }
0xa9: {  	v4 =	vmul.u32 $0x30, v55  }
0xaa: {  	v3 =	vand.u32 $0x7, v3  }
0xab: {  	v3 =	vor.u32 v3, v4  }
0xac: {  	v4 =	vperm.xlane v3, v0;
	_ =	sdelay $0x1  }
0xad: {  	v4 =	vadd.s32 v1, v4;
	_ =	sdelay $0x3  }
0xae: {  	s9 =	simm.s32 $0x15100;
	v3 =	vperm.xlane v3, v2  }
0xaf: {  	[hbm4b:s1+s3] =	stream.indirect_vreg.scatter [tilespmem:s9], [sflag:$0x1], $0x80, v4, vm0, $0xb8;
	[tilespmem:$0x18100] =	vst v63  }
0xb0: {  	v3 =	vadd.s32 v1, v3;
	s9 =	simm.s32 $0x15900  }
0xb1: {  	[hbm4b:s4+s3] =	stream.indirect_vreg.scatter [tilespmem:s9], [sflag:$0x1], $0x80, v4, vm0, $0xb8;
	[tilespmem:$0x18100] =	vst v63  }
0xb2: {  	s9 =	simm.s32 $0x16100  }
0xb3: {  	[hbm4b:s5+s3] =	stream.indirect_vreg.scatter [tilespmem:s9], [sflag:$0x1], $0x80, v4, vm0, $0xb8;
	[tilespmem:$0x18100] =	vst v63  }
0xb4: {  	s9 =	simm.s32 $0x16900  }
0xb5: {  	[hbm4b:s1+s3] =	stream.indirect_vreg.scatter [tilespmem:s9], [sflag:$0x1], $0x80, v3, vm0, $0xb8;
	[tilespmem:$0x18100] =	vst v63  }
0xb6: {  	s9 =	simm.s32 $0x17100  }
0xb7: {  	[hbm4b:s4+s3] =	stream.indirect_vreg.scatter [tilespmem:s9], [sflag:$0x1], $0x80, v3, vm0, $0xb8;
	[tilespmem:$0x18100] =	vst v63  }
0xb8: {  	s9 =	simm.s32 $0x17900  }
0xb9: {  	[hbm4b:s5+s3] =	stream.indirect_vreg.scatter [tilespmem:s9], [sflag:$0x1], $0x80, v3, vm0, $0xb8;
	[tilespmem:$0x18100] =	vst v63  }
0xba: {  	_ =	swait.ge [sflag:s2], $0x18000  }
0xbb: {  	[sflag:s2] =	ssyncset.done $0x0  }
0xbc: {  	s9 =	rddreg [dreg:$0x7];
	[sflag:s2] =	ssyncadd.s32 $0xFFFE8000  }
0xbd: {  	[tilespmem:s0], [sflag:$0x2] =	stream.linear.gather [hbm4b:s9+s3], $0x18000, $0x38;
	[tilespmem:$0x18100] =	vst v63  }
0xbe: {  	_ =	swait.ge [sflag:s7], $0x18000  }
0xbf: {  	[sflag:s7] =	ssyncset.done $0x0  }
0xc0: {  	[sflag:s7] =	ssyncadd.s32 $0xFFFE8000  }
0xc1: {  	v3 =	vld [tilespmem:$0x80];
	_ =	sdelay $0x4  }
0xc2: {  	v56 =	vshrl.u32 v3, $0x3  }
0xc3: {  	v4 =	vmul.u32 $0x30, v56  }
0xc4: {  	v3 =	vand.u32 $0x7, v3  }
0xc5: {  	v3 =	vor.u32 v3, v4  }
0xc6: {  	v4 =	vperm.xlane v3, v0;
	_ =	sdelay $0x1  }
0xc7: {  	v4 =	vadd.s32 v1, v4;
	_ =	sdelay $0x3  }
0xc8: {  	v3 =	vperm.xlane v3, v2  }
0xc9: {  	[hbm4b:s1+s3] =	stream.indirect_vreg.scatter [tilespmem:s0], [sflag:$0x1], $0x80, v4, vm0, $0xb8;
	[tilespmem:$0x18100] =	vst v63  }
0xca: {  	v3 =	vadd.s32 v1, v3  }
0xcb: {  	[hbm4b:s4+s3] =	stream.indirect_vreg.scatter [tilespmem:s10], [sflag:$0x1], $0x80, v4, vm0, $0xb8;
	[tilespmem:$0x18100] =	vst v63  }
0xcc: {  	_ = 	snop  }
0xcd: {  	[hbm4b:s5+s3] =	stream.indirect_vreg.scatter [tilespmem:s11], [sflag:$0x1], $0x80, v4, vm0, $0xb8;
	[tilespmem:$0x18100] =	vst v63  }
0xce: {  	_ = 	snop  }
0xcf: {  	[hbm4b:s1+s3] =	stream.indirect_vreg.scatter [tilespmem:s12], [sflag:$0x1], $0x80, v3, vm0, $0xb8;
	[tilespmem:$0x18100] =	vst v63  }
0xd0: {  	_ = 	snop  }
0xd1: {  	[hbm4b:s4+s3] =	stream.indirect_vreg.scatter [tilespmem:s13], [sflag:$0x1], $0x80, v3, vm0, $0xb8;
	[tilespmem:$0x18100] =	vst v63  }
0xd2: {  	_ = 	snop  }
0xd3: {  	[hbm4b:s5+s3] =	stream.indirect_vreg.scatter [tilespmem:s14], [sflag:$0x1], $0x80, v3, vm0, $0xb8;
	[tilespmem:$0x18100] =	vst v63  }
0xd4: {  	v3 =	vld [tilespmem:$0x90];
	_ =	sdelay $0x4  }
0xd5: {  	v57 =	vshrl.u32 v3, $0x3  }
0xd6: {  	v4 =	vmul.u32 $0x30, v57  }
0xd7: {  	v3 =	vand.u32 $0x7, v3  }
0xd8: {  	v3 =	vor.u32 v3, v4  }
0xd9: {  	v4 =	vperm.xlane v3, v0;
	_ =	sdelay $0x1  }
0xda: {  	v4 =	vadd.s32 v1, v4;
	_ =	sdelay $0x3  }
0xdb: {  	v3 =	vperm.xlane v3, v2  }
0xdc: {  	[hbm4b:s1+s3] =	stream.indirect_vreg.scatter [tilespmem:s15], [sflag:$0x1], $0x80, v4, vm0, $0xb8;
	[tilespmem:$0x18100] =	vst v63  }
0xdd: {  	v3 =	vadd.s32 v1, v3  }
0xde: {  	[hbm4b:s4+s3] =	stream.indirect_vreg.scatter [tilespmem:s16], [sflag:$0x1], $0x80, v4, vm0, $0xb8;
	[tilespmem:$0x18100] =	vst v63  }
0xdf: {  	_ = 	snop  }
0xe0: {  	[hbm4b:s5+s3] =	stream.indirect_vreg.scatter [tilespmem:s17], [sflag:$0x1], $0x80, v4, vm0, $0xb8;
	[tilespmem:$0x18100] =	vst v63  }
0xe1: {  	_ = 	snop  }
0xe2: {  	[hbm4b:s1+s3] =	stream.indirect_vreg.scatter [tilespmem:s18], [sflag:$0x1], $0x80, v3, vm0, $0xb8;
	[tilespmem:$0x18100] =	vst v63  }
0xe3: {  	_ = 	snop  }
0xe4: {  	[hbm4b:s4+s3] =	stream.indirect_vreg.scatter [tilespmem:s19], [sflag:$0x1], $0x80, v3, vm0, $0xb8;
	[tilespmem:$0x18100] =	vst v63  }
0xe5: {  	_ = 	snop  }
0xe6: {  	[hbm4b:s5+s3] =	stream.indirect_vreg.scatter [tilespmem:s20], [sflag:$0x1], $0x80, v3, vm0, $0xb8;
	[tilespmem:$0x18100] =	vst v63  }
0xe7: {  	v3 =	vld [tilespmem:$0xA0];
	_ =	sdelay $0x4  }
0xe8: {  	v58 =	vshrl.u32 v3, $0x3  }
0xe9: {  	v4 =	vmul.u32 $0x30, v58  }
0xea: {  	v3 =	vand.u32 $0x7, v3  }
0xeb: {  	v3 =	vor.u32 v3, v4  }
0xec: {  	v4 =	vperm.xlane v3, v0;
	_ =	sdelay $0x1  }
0xed: {  	v4 =	vadd.s32 v1, v4;
	_ =	sdelay $0x3  }
0xee: {  	v3 =	vperm.xlane v3, v2  }
0xef: {  	[hbm4b:s1+s3] =	stream.indirect_vreg.scatter [tilespmem:s21], [sflag:$0x1], $0x80, v4, vm0, $0xb8;
	[tilespmem:$0x18100] =	vst v63  }
0xf0: {  	v3 =	vadd.s32 v1, v3  }
0xf1: {  	[hbm4b:s4+s3] =	stream.indirect_vreg.scatter [tilespmem:s22], [sflag:$0x1], $0x80, v4, vm0, $0xb8;
	[tilespmem:$0x18100] =	vst v63  }
0xf2: {  	_ = 	snop  }
0xf3: {  	[hbm4b:s5+s3] =	stream.indirect_vreg.scatter [tilespmem:s23], [sflag:$0x1], $0x80, v4, vm0, $0xb8;
	[tilespmem:$0x18100] =	vst v63  }
0xf4: {  	_ = 	snop  }
0xf5: {  	[hbm4b:s1+s3] =	stream.indirect_vreg.scatter [tilespmem:s24], [sflag:$0x1], $0x80, v3, vm0, $0xb8;
	[tilespmem:$0x18100] =	vst v63  }
0xf6: {  	_ = 	snop  }
0xf7: {  	[hbm4b:s4+s3] =	stream.indirect_vreg.scatter [tilespmem:s25], [sflag:$0x1], $0x80, v3, vm0, $0xb8;
	[tilespmem:$0x18100] =	vst v63  }
0xf8: {  	_ = 	snop  }
0xf9: {  	[hbm4b:s5+s3] =	stream.indirect_vreg.scatter [tilespmem:s26], [sflag:$0x1], $0x80, v3, vm0, $0xb8;
	[tilespmem:$0x18100] =	vst v63  }
0xfa: {  	v3 =	vld [tilespmem:$0xB0];
	_ =	sdelay $0x4  }
0xfb: {  	v59 =	vshrl.u32 v3, $0x3  }
0xfc: {  	v4 =	vmul.u32 $0x30, v59  }
0xfd: {  	v3 =	vand.u32 $0x7, v3  }
0xfe: {  	v3 =	vor.u32 v3, v4  }
0xff: {  	v4 =	vperm.xlane v3, v0;
	_ =	sdelay $0x1  }
0x100: {  	v4 =	vadd.s32 v1, v4;
	_ =	sdelay $0x3  }
0x101: {  	v3 =	vperm.xlane v3, v2  }
0x102: {  	[hbm4b:s1+s3] =	stream.indirect_vreg.scatter [tilespmem:s28], [sflag:$0x1], $0x80, v4, vm0, $0xb8;
	[tilespmem:$0x18100] =	vst v63  }
0x103: {  	v3 =	vadd.s32 v1, v3  }
0x104: {  	[hbm4b:s4+s3] =	stream.indirect_vreg.scatter [tilespmem:s29], [sflag:$0x1], $0x80, v4, vm0, $0xb8;
	[tilespmem:$0x18100] =	vst v63  }
0x105: {  	_ = 	snop  }
0x106: {  	[hbm4b:s5+s3] =	stream.indirect_vreg.scatter [tilespmem:s30], [sflag:$0x1], $0x80, v4, vm0, $0xb8;
	[tilespmem:$0x18100] =	vst v63  }
0x107: {  	_ = 	snop  }
0x108: {  	[hbm4b:s1+s3] =	stream.indirect_vreg.scatter [tilespmem:s31], [sflag:$0x1], $0x80, v3, vm0, $0xb8;
	[tilespmem:$0x18100] =	vst v63  }
0x109: {  	s10 =	simm.s32 $0xB100  }
0x10a: {  	[hbm4b:s4+s3] =	stream.indirect_vreg.scatter [tilespmem:s10], [sflag:$0x1], $0x80, v3, vm0, $0xb8;
	[tilespmem:$0x18100] =	vst v63  }
0x10b: {  	_ = 	snop  }
0x10c: {  	[hbm4b:s5+s3] =	stream.indirect_vreg.scatter [tilespmem:s8], [sflag:$0x1], $0x80, v3, vm0, $0xb8;
	[tilespmem:$0x18100] =	vst v63  }
0x10d: {  	v3 =	vld [tilespmem:$0xC0];
	_ =	sdelay $0x4  }
0x10e: {  	v60 =	vshrl.u32 v3, $0x3  }
0x10f: {  	v4 =	vmul.u32 $0x30, v60  }
0x110: {  	v3 =	vand.u32 $0x7, v3  }
0x111: {  	v3 =	vor.u32 v3, v4  }
0x112: {  	v4 =	vperm.xlane v3, v0;
	_ =	sdelay $0x1  }
0x113: {  	v4 =	vadd.s32 v1, v4;
	_ =	sdelay $0x3  }
0x114: {  	s8 =	simm.s32 $0xC100;
	v3 =	vperm.xlane v3, v2  }
0x115: {  	[hbm4b:s1+s3] =	stream.indirect_vreg.scatter [tilespmem:s8], [sflag:$0x1], $0x80, v4, vm0, $0xb8;
	[tilespmem:$0x18100] =	vst v63  }
0x116: {  	s9 =	simm.s32 $0xC900;
	v3 =	vadd.s32 v1, v3  }
0x117: {  	[hbm4b:s4+s3] =	stream.indirect_vreg.scatter [tilespmem:s9], [sflag:$0x1], $0x80, v4, vm0, $0xb8;
	[tilespmem:$0x18100] =	vst v63  }
0x118: {  	s10 =	simm.s32 $0xD100  }
0x119: {  	[hbm4b:s5+s3] =	stream.indirect_vreg.scatter [tilespmem:s10], [sflag:$0x1], $0x80, v4, vm0, $0xb8;
	[tilespmem:$0x18100] =	vst v63  }
0x11a: {  	s8 =	simm.s32 $0xD900  }
0x11b: {  	[hbm4b:s1+s3] =	stream.indirect_vreg.scatter [tilespmem:s8], [sflag:$0x1], $0x80, v3, vm0, $0xb8;
	[tilespmem:$0x18100] =	vst v63  }
0x11c: {  	s9 =	simm.s32 $0xE100  }
0x11d: {  	[hbm4b:s4+s3] =	stream.indirect_vreg.scatter [tilespmem:s9], [sflag:$0x1], $0x80, v3, vm0, $0xb8;
	[tilespmem:$0x18100] =	vst v63  }
0x11e: {  	s10 =	simm.s32 $0xE900  }
0x11f: {  	[hbm4b:s5+s3] =	stream.indirect_vreg.scatter [tilespmem:s10], [sflag:$0x1], $0x80, v3, vm0, $0xb8;
	[tilespmem:$0x18100] =	vst v63  }
0x120: {  	v3 =	vld [tilespmem:$0xD0];
	_ =	sdelay $0x4  }
0x121: {  	v61 =	vshrl.u32 v3, $0x3  }
0x122: {  	v4 =	vmul.u32 $0x30, v61  }
0x123: {  	v3 =	vand.u32 $0x7, v3  }
0x124: {  	v3 =	vor.u32 v3, v4  }
0x125: {  	v4 =	vperm.xlane v3, v0;
	_ =	sdelay $0x1  }
0x126: {  	v4 =	vadd.s32 v1, v4;
	_ =	sdelay $0x3  }
0x127: {  	s8 =	simm.s32 $0xF100;
	v3 =	vperm.xlane v3, v2  }
0x128: {  	[hbm4b:s1+s3] =	stream.indirect_vreg.scatter [tilespmem:s8], [sflag:$0x1], $0x80, v4, vm0, $0xb8;
	[tilespmem:$0x18100] =	vst v63  }
0x129: {  	s9 =	simm.s32 $0xF900;
	v3 =	vadd.s32 v1, v3  }
0x12a: {  	[hbm4b:s4+s3] =	stream.indirect_vreg.scatter [tilespmem:s9], [sflag:$0x1], $0x80, v4, vm0, $0xb8;
	[tilespmem:$0x18100] =	vst v63  }
0x12b: {  	s10 =	simm.s32 $0x10100  }
0x12c: {  	[hbm4b:s5+s3] =	stream.indirect_vreg.scatter [tilespmem:s10], [sflag:$0x1], $0x80, v4, vm0, $0xb8;
	[tilespmem:$0x18100] =	vst v63  }
0x12d: {  	s8 =	simm.s32 $0x10900  }
0x12e: {  	[hbm4b:s1+s3] =	stream.indirect_vreg.scatter [tilespmem:s8], [sflag:$0x1], $0x80, v3, vm0, $0xb8;
	[tilespmem:$0x18100] =	vst v63  }
0x12f: {  	s9 =	simm.s32 $0x11100  }
0x130: {  	[hbm4b:s4+s3] =	stream.indirect_vreg.scatter [tilespmem:s9], [sflag:$0x1], $0x80, v3, vm0, $0xb8;
	[tilespmem:$0x18100] =	vst v63  }
0x131: {  	s10 =	simm.s32 $0x11900  }
0x132: {  	[hbm4b:s5+s3] =	stream.indirect_vreg.scatter [tilespmem:s10], [sflag:$0x1], $0x80, v3, vm0, $0xb8;
	[tilespmem:$0x18100] =	vst v63  }
0x133: {  	v3 =	vld [tilespmem:$0xE0];
	_ =	sdelay $0x4  }
0x134: {  	v62 =	vshrl.u32 v3, $0x3  }
0x135: {  	v4 =	vmul.u32 $0x30, v62  }
0x136: {  	v3 =	vand.u32 $0x7, v3  }
0x137: {  	v3 =	vor.u32 v3, v4  }
0x138: {  	v4 =	vperm.xlane v3, v0;
	_ =	sdelay $0x1  }
0x139: {  	v4 =	vadd.s32 v1, v4;
	_ =	sdelay $0x3  }
0x13a: {  	s8 =	simm.s32 $0x12100;
	v3 =	vperm.xlane v3, v2  }
0x13b: {  	[hbm4b:s1+s3] =	stream.indirect_vreg.scatter [tilespmem:s8], [sflag:$0x1], $0x80, v4, vm0, $0xb8;
	[tilespmem:$0x18100] =	vst v63  }
0x13c: {  	s9 =	simm.s32 $0x12900;
	v3 =	vadd.s32 v1, v3  }
0x13d: {  	[hbm4b:s4+s3] =	stream.indirect_vreg.scatter [tilespmem:s9], [sflag:$0x1], $0x80, v4, vm0, $0xb8;
	[tilespmem:$0x18100] =	vst v63  }
0x13e: {  	s10 =	simm.s32 $0x13100  }
0x13f: {  	[hbm4b:s5+s3] =	stream.indirect_vreg.scatter [tilespmem:s10], [sflag:$0x1], $0x80, v4, vm0, $0xb8;
	[tilespmem:$0x18100] =	vst v63  }
0x140: {  	s8 =	simm.s32 $0x13900  }
0x141: {  	[hbm4b:s1+s3] =	stream.indirect_vreg.scatter [tilespmem:s8], [sflag:$0x1], $0x80, v3, vm0, $0xb8;
	[tilespmem:$0x18100] =	vst v63  }
0x142: {  	s9 =	simm.s32 $0x14100  }
0x143: {  	[hbm4b:s4+s3] =	stream.indirect_vreg.scatter [tilespmem:s9], [sflag:$0x1], $0x80, v3, vm0, $0xb8;
	[tilespmem:$0x18100] =	vst v63  }
0x144: {  	s10 =	simm.s32 $0x14900  }
0x145: {  	[hbm4b:s5+s3] =	stream.indirect_vreg.scatter [tilespmem:s10], [sflag:$0x1], $0x80, v3, vm0, $0xb8;
	[tilespmem:$0x18100] =	vst v63  }
0x146: {  	v3 =	vld [tilespmem:$0xF0];
	_ =	sdelay $0x4  }
0x147: {  	v63 =	vshrl.u32 v3, $0x3  }
0x148: {  	v4 =	vmul.u32 $0x30, v63  }
0x149: {  	v3 =	vand.u32 $0x7, v3  }
0x14a: {  	v3 =	vor.u32 v3, v4  }
0x14b: {  	v4 =	vperm.xlane v3, v0;
	_ =	sdelay $0x1  }
0x14c: {  	v4 =	vadd.s32 v1, v4;
	_ =	sdelay $0x3  }
0x14d: {  	s8 =	simm.s32 $0x15100;
	v3 =	vperm.xlane v3, v2  }
0x14e: {  	[hbm4b:s1+s3] =	stream.indirect_vreg.scatter [tilespmem:s8], [sflag:$0x1], $0x80, v4, vm0, $0xb8;
	[tilespmem:$0x18100] =	vst v63  }
0x14f: {  	s9 =	simm.s32 $0x15900;
	v3 =	vadd.s32 v1, v3  }
0x150: {  	[hbm4b:s4+s3] =	stream.indirect_vreg.scatter [tilespmem:s9], [sflag:$0x1], $0x80, v4, vm0, $0xb8;
	[tilespmem:$0x18100] =	vst v63  }
0x151: {  	s10 =	simm.s32 $0x16100  }
0x152: {  	[hbm4b:s5+s3] =	stream.indirect_vreg.scatter [tilespmem:s10], [sflag:$0x1], $0x80, v4, vm0, $0xb8;
	[tilespmem:$0x18100] =	vst v63  }
0x153: {  	s8 =	simm.s32 $0x16900  }
0x154: {  	[hbm4b:s1+s3] =	stream.indirect_vreg.scatter [tilespmem:s8], [sflag:$0x1], $0x80, v3, vm0, $0xb8;
	[tilespmem:$0x18100] =	vst v63  }
0x155: {  	p0 =	sne.s32 s6, $0x1;
	s9 =	simm.s32 $0x17100  }
0x156: {  	[hbm4b:s4+s3] =	stream.indirect_vreg.scatter [tilespmem:s9], [sflag:$0x1], $0x80, v3, vm0, $0xb8;
	[tilespmem:$0x18100] =	vst v63  }
.Ltmp0:
0x157: {  	s10 =	simm.s32 $0x17900;
	(pc) =	sbr.rel @p0 .LBB2_1-.Ltmp0, $4  }
0x158: {  	[hbm4b:s5+s3] =	stream.indirect_vreg.scatter [tilespmem:s10], [sflag:$0x1], $0x80, v3, vm0, $0xb8;
	[tilespmem:$0x18100] =	vst v63  }
0x159: {  	_ =	swait.ge [sflag:s2], $0x18000  }
0x15a: {  	[sflag:s2] =	ssyncset.done $0x0  }
0x15b: {  	s6 =	sadd.s32 $0xFFFFFFFF, s6;
	[sflag:s2] =	ssyncadd.s32 $0xFFFE8000  }
0x15c: {  	_ =	sfence.sel $0x180000  }
0x15d: {  	[bflag:$0x0] =	sbarrier.arrive $0xFFFF  }
0x15e: {  	_ =	strace $0x90000047  }
0x15f: {  	s0 =	stileid.u32;
	[bflag:$0x2] =	sbarrier.arrive $0xFFFF  }
0x160: {  	p0 =	sne.s32 s0, $0x0;
	s0 =	rddreg [dreg:$0x3]  }
0x161: {  	s0 =	sadd.s32 @!p0 $0x100000, s0  }
0x162: {  	[sflag:s0] =	ssyncadd.tile.s32 @!p0 $0x1;
	_ =	shalt  }
.Lfunc_end2:
_tile_overlayer_lowered:
.L_overlay_start_2:
0x163: {  	(tag) =	ssettag $0x2  }
0x164: {  	s0 =	rddreg [dreg:$0x0];
	s2 =	stileid.u32  }
0x165: {  	s1 =	rddreg [dreg:$0x1];
	p0 =	sne.s32 s2, $0x0  }
0x166: {  	s3 =	rddreg [dreg:$0x2];
	[bflag:$0x3] =	sbarrier.arrive $0xFFFF;
	s2 =	simm.s32 @!p0 $0x1C02  }
0x167: {  	[timem:s3], [sflag:s2] =	dma.local @!p0 [hbm:s0], s1  }
0x168: {  	s0 =	simm.s32 @!p0 $0x2  }
0x169: {  	_ =	swait.ge @!p0 [sflag:s0], s1  }
0x16a: {  	s1 =	ssub.s32 @!p0 $0x0, s1;
	[sflag:s0] =	ssyncset.done @!p0 $0x0  }
0x16b: {  	[sflag:s0] =	ssyncadd.s32 @!p0 s1  }
0x16c: {  	[bflag:$0x3] =	sbarrier.arrive $0xFFFF  }
0x16d: {  	_ =	shalt  }

</sc_bundles>
